<compile_context>
chip_gen: v7x
topology: tpu7x:2x2x1
jax: 0.10.2.dev20260603
libtpu: 0.0.44.dev20260713+nightly
codegen_flags: <defaults>
</compile_context>

<pallas_src>
import functools

import jax
import jax.numpy as jnp
from jax import lax
from jax.experimental import pallas as pl
from jax.experimental.pallas import tpu as pltpu
from jax.experimental.pallas import tpu_sc as plsc

B, S, D = 8, 512, 768
SPAN_NUM = 2048
MAX_W = 4
D_FF = 3072
N_CLS = 3

M_TILE = 1024
NG = B * SPAN_NUM // M_TILE
LANES = 128
LN_EPS = 1e-12

NW = 32
SP_W = B * SPAN_NUM // NW
CH = 16
N_IT = SP_W // CH
FCH = D // 16


def _sc_gather(x_hbm, idx_hbm, out_hbm, idx_v, rows_v, out_v, sem):
    wid = lax.axis_index("s") * 2 + lax.axis_index("c")
    base = wid * SP_W

    def body(it, carry):
        sp0 = pl.multiple_of(base + it * CH, CH)
        pltpu.sync_copy(idx_hbm.at[pl.ds(sp0 * MAX_W, CH * MAX_W)], idx_v)
        pltpu.async_copy(x_hbm.at[idx_v], rows_v, sem).wait()

        def fbody(cc, c2):
            sl = pl.ds(cc * 16, 16)
            for i in range(CH):
                out_v[i, sl] = (rows_v[4 * i, sl] + rows_v[4 * i + 1, sl]
                                + rows_v[4 * i + 2, sl]
                                + rows_v[4 * i + 3, sl])
            return c2

        lax.fori_loop(0, FCH, fbody, 0)
        pltpu.sync_copy(out_v, out_hbm.at[pl.ds(sp0, CH), :])
        return carry

    lax.fori_loop(0, N_IT, body, 0)


@jax.jit
def _gather(x_rows, idx):
    mesh = plsc.VectorSubcoreMesh(core_axis_name="c", subcore_axis_name="s")
    return pl.kernel(
        _sc_gather,
        mesh=mesh,
        out_type=jax.ShapeDtypeStruct((B * SPAN_NUM, D), jnp.float32),
        scratch_types=[
            pltpu.VMEM((CH * MAX_W,), jnp.int32),
            pltpu.VMEM((CH * MAX_W, D), jnp.float32),
            pltpu.VMEM((CH, D), jnp.float32),
            pltpu.SemaphoreType.DMA,
        ],
    )(x_rows, idx)


def _fused_body(e_ref, iv_ref, wi_f, bi_f, wo_f, bo_f,
                wi_r, bi_r, wo_r, bo_r, wg, u, cb, out_ref):
    e = e_ref[...] * iv_ref[0]
    e_bf = e.astype(jnp.bfloat16)

    def decoder(wi, bi, wo, bo):
        nc = D_FF // D
        acc = None
        for k in range(nc):
            t = (jnp.dot(e_bf, wi[:, k * D:(k + 1) * D],
                         preferred_element_type=jnp.float32)
                 + bi[:, k * D:(k + 1) * D])
            h = (t + t * jax.lax.erf(t)).astype(jnp.bfloat16)
            part = jnp.dot(h, wo[k * D:(k + 1) * D, :],
                           preferred_element_type=jnp.float32)
            acc = part if acc is None else acc + part
        y = acc + bo[...] + e
        m = jnp.mean(y, axis=-1, keepdims=True)
        s2 = jnp.mean(y * y, axis=-1, keepdims=True)
        inv = jax.lax.rsqrt(jnp.maximum(s2 - m * m, 0.0) + LN_EPS)
        return y.astype(jnp.bfloat16), m, inv

    y_f, m_f, i_f = decoder(wi_f, bi_f, wo_f, bo_f)
    y_r, m_r, i_r = decoder(wi_r, bi_r, wo_r, bo_r)

    z_f = (jnp.dot(y_f, wg[0], preferred_element_type=jnp.float32)
           - m_f * u[0]) * i_f
    z_r = (jnp.dot(y_r, wg[1], preferred_element_type=jnp.float32)
           - m_r * u[1]) * i_r
    out_ref[...] = z_f + z_r + cb[...]


@jax.jit
def _fused(e, iv, wi_f, bi_f, wo_f, bo_f,
           wi_r, bi_r, wo_r, bo_r, wg, u, cb):
    full = lambda shape: pl.BlockSpec(shape, lambda i: (0,) * len(shape))
    return pl.pallas_call(
        _fused_body,
        grid=(NG,),
        in_specs=[
            pl.BlockSpec((M_TILE, D), lambda i: (i, 0)),
            pl.BlockSpec((1, M_TILE, 1), lambda i: (i, 0, 0)),
            full((D, D_FF)), full((1, D_FF)), full((D_FF, D)), full((1, D)),
            full((D, D_FF)), full((1, D_FF)), full((D_FF, D)), full((1, D)),
            full((2, D, LANES)), full((2, 1, LANES)), full((1, LANES)),
        ],
        out_specs=pl.BlockSpec((M_TILE, LANES), lambda i: (i, 0)),
        out_shape=jax.ShapeDtypeStruct((B * SPAN_NUM, LANES), jnp.float32),
        compiler_params=pltpu.CompilerParams(
            dimension_semantics=("parallel",)),
    )(e, iv, wi_f, bi_f, wo_f, bo_f, wi_r, bi_r, wo_r, bo_r, wg, u, cb)


def kernel(input_bert_features, attention_mask, spans, span_mask,
           related_spans_tensor, sentence_length, Wi_f, bi_f, Wo_f, bo_f,
           g_f, be_f, Wi_r, bi_r, Wo_r, bo_r, g_r, be_r, Wa, ba, Wop, bop):
    start = spans[..., 0]
    width = spans[..., 2]
    boff = (jnp.arange(B, dtype=jnp.int32) * S)[:, None, None]
    offs = jnp.arange(MAX_W, dtype=jnp.int32)[None, None, :]
    idx = boff + start[..., None] + offs
    idx = jnp.where(offs < width[..., None], idx, B * S)
    idx = idx.reshape(B * SPAN_NUM * MAX_W)
    invw = (span_mask.astype(jnp.float32)
            / jnp.maximum(width, 1).astype(jnp.float32)).reshape(-1)
    x_rows = jnp.concatenate(
        [input_bert_features.reshape(B * S, D),
         jnp.zeros((8, D), jnp.float32)], axis=0)

    e = _gather(x_rows, idx)
    iv = invw.reshape(NG, M_TILE, 1)

    wc = jnp.zeros((2, D, LANES), jnp.float32)
    wc = wc.at[0, :, :N_CLS].set(Wa).at[1, :, N_CLS:2 * N_CLS].set(Wop)
    wg = wc * jnp.stack([g_f, g_r])[:, :, None]
    u = jnp.sum(wg, axis=1, keepdims=True)
    cb = (be_f @ wc[0] + be_r @ wc[1]).reshape(1, LANES)
    cb = cb.at[0, :N_CLS].add(ba).at[0, N_CLS:2 * N_CLS].add(bop)

    bf = jnp.bfloat16
    c = 0.7071067811865476
    out = _fused(e, iv,
                 (Wi_f * c).astype(bf), (bi_f * c).reshape(1, D_FF),
                 (Wo_f * c).astype(bf), bo_f.reshape(1, D),
                 (Wi_r * c).astype(bf), (bi_r * c).reshape(1, D_FF),
                 (Wo_r * c).astype(bf), bo_r.reshape(1, D),
                 wg.astype(bf), u, cb)
    return out[:, :2 * N_CLS].reshape(B, SPAN_NUM, 2 * N_CLS)

# --- scband reference (transcript-rebuilt; emitter-appended) ---
"""Pipeline reference for scband-step-1-31370441130230 (READ-ONLY COPY).

The authoritative reference and input builder live on the scoring server;
editing this copy changes nothing except your own understanding.
"""

import jax, jax.numpy as jnp
import numpy as np

B, S, D = 8, 512, 768
SPAN_NUM = 2048
MAX_W = 4
D_FF = 3072
N_CLS = 3


def _layer_norm(x, g, b, eps=1e-12):
    m = jnp.mean(x, axis=-1, keepdims=True)
    v = jnp.mean((x - m) ** 2, axis=-1, keepdims=True)
    return (x - m) / jnp.sqrt(v + eps) * g + b


def _step1_module(x, Wi, bi, Wo, bo, g, be):
    # Intermediate: Linear + BERT gelu; Output: Linear + residual + LayerNorm (dropout=eval)
    inter = jax.nn.gelu(x @ Wi + bi, approximate=False)
    out = inter @ Wo + bo
    return _layer_norm(out + x, g, be)


def setup_inputs(seed: int = 0) -> dict:
    key = jax.random.key(seed)
    ks = jax.random.split(key, 16)
    inp = {}
    inp["input_bert_features"] = jax.random.normal(ks[0], (B, S, D), dtype=jnp.float32)
    inp["attention_mask"] = jnp.ones((B, S), dtype=bool)
    start = jax.random.randint(ks[1], (B, SPAN_NUM), 0, S - MAX_W)
    width = jax.random.randint(ks[2], (B, SPAN_NUM), 1, MAX_W + 1)
    end = start + width - 1
    inp["spans"] = jnp.stack([start, end, width], axis=-1).astype(jnp.int32)
    inp["span_mask"] = jnp.ones((B, SPAN_NUM), dtype=jnp.int32)
    inp["related_spans_tensor"] = jnp.zeros((B, SPAN_NUM, SPAN_NUM), dtype=bool)
    inp["sentence_length"] = jnp.full((B,), S, dtype=jnp.int32)

    def dense(k, shape):
        return jax.random.normal(k, shape, dtype=jnp.float32) * 0.02

    inp["Wi_f"] = dense(ks[3], (D, D_FF)); inp["bi_f"] = jnp.zeros((D_FF,), jnp.float32)
    inp["Wo_f"] = dense(ks[4], (D_FF, D)); inp["bo_f"] = jnp.zeros((D,), jnp.float32)
    inp["g_f"] = jnp.ones((D,), jnp.float32); inp["be_f"] = jnp.zeros((D,), jnp.float32)
    inp["Wi_r"] = dense(ks[5], (D, D_FF)); inp["bi_r"] = jnp.zeros((D_FF,), jnp.float32)
    inp["Wo_r"] = dense(ks[6], (D_FF, D)); inp["bo_r"] = jnp.zeros((D,), jnp.float32)
    inp["g_r"] = jnp.ones((D,), jnp.float32); inp["be_r"] = jnp.zeros((D,), jnp.float32)
    inp["Wa"] = dense(ks[7], (D, N_CLS)); inp["ba"] = jnp.zeros((N_CLS,), jnp.float32)
    inp["Wop"] = dense(ks[8], (D, N_CLS)); inp["bop"] = jnp.zeros((N_CLS,), jnp.float32)
    return inp


def reference(input_bert_features, attention_mask, spans, span_mask, related_spans_tensor,
              sentence_length, Wi_f, bi_f, Wo_f, bo_f, g_f, be_f,
              Wi_r, bi_r, Wo_r, bo_r, g_r, be_r, Wa, ba, Wop, bop):
    # span_generator ('Average'): ragged gather of token features per span + masked mean-pool
    start = spans[..., 0]
    width = spans[..., 2]
    offs = jnp.arange(MAX_W)
    idx = jnp.clip(start[..., None] + offs[None, None, :], 0, S - 1)  # [B, SPAN_NUM, MAX_W]
    valid = (offs[None, None, :] < width[..., None]).astype(jnp.float32)
    gathered = jax.vmap(lambda xb, ib: xb[ib])(input_bert_features, idx)  # [B, SPAN_NUM, MAX_W, D]
    spans_embedding = (gathered * valid[..., None]).sum(axis=2) / jnp.maximum(width[..., None], 1).astype(jnp.float32)
    spans_embedding = spans_embedding * span_mask[..., None].astype(jnp.float32)
    # forward_1_decoders (block_num=2 -> 1 Step_1_module)
    span_embedding_1 = _step1_module(spans_embedding, Wi_f, bi_f, Wo_f, bo_f, g_f, be_f)
    class_logits_aspect = span_embedding_1 @ Wa + ba
    # reverse_1_decoders
    span_embedding_2 = _step1_module(spans_embedding, Wi_r, bi_r, Wo_r, bo_r, g_r, be_r)
    class_logits_opinion = span_embedding_2 @ Wop + bop
    return jnp.concatenate([class_logits_aspect, class_logits_opinion], axis=-1)

if __name__ == "__main__":
    import jax
    _d = setup_inputs()
    print(jax.jit(kernel)(*tuple(_d.values())))

</pallas_src>

<mosaic_0001>
#map = affine_map<(d0, d1) -> (0, 0)>
#map1 = affine_map<(d0, d1) -> (0)>
module attributes {stable_mosaic.version = 14 : i64} {
  func.func @_sc_gather(%arg0: i32, %arg1: i32, %arg2: memref<4104x768xf32, #tpu.memory_space<hbm>>, %arg3: memref<65536xi32, #tpu.memory_space<hbm>>, %arg4: memref<16384x768xf32, #tpu.memory_space<hbm>>, %arg5: memref<64xi32, #tpu.memory_space<vmem>>, %arg6: memref<64x768xf32, #tpu.memory_space<vmem>>, %arg7: memref<16x768xf32, #tpu.memory_space<vmem>>, %arg8: memref<!tpu.dma_semaphore, #tpu.memory_space<semaphore_mem>>) attributes {dimension_semantics = [#tpu.dimension_semantics<core_parallel>, #tpu.dimension_semantics<subcore_parallel>], iteration_bounds = array<i64: 2, 16>, scalar_prefetch = 0 : i64, scratch_operands = 4 : i64, tpu.core_type = #tpu.core_type<sc_vector_subcore>, window_params = [{transform_indices = #map}, {transform_indices = #map1}, {transform_indices = #map}]} {
    %mul3A = arith.constant 2 : i32
    %mul3A_0 = arith.muli %arg1, %mul3A : i32
    %add3A = arith.addi %mul3A_0, %arg0 : i32
    %mul3A_1 = arith.constant 512 : i32
    %mul3A_2 = arith.muli %add3A, %mul3A_1 : i32
    %scan3A = arith.constant 0 : i32
    %scan3A_3 = arith.constant 0 : i32
    %scan3A_4 = arith.constant 32 : i32
    %scan3A_5 = arith.addi %scan3A_3, %scan3A_4 : i32
    %scan3A_6 = arith.constant 1 : i32
    scf.for %scan3A_8 = %scan3A_3 to %scan3A_5 step %scan3A_6  : i32 {
      %mul3A_9 = arith.constant 16 : i32
      %mul3A_10 = arith.muli %scan3A_8, %mul3A_9 : i32
      %add3A_11 = arith.addi %mul3A_2, %mul3A_10 : i32
      %multiple_of3A = tpu.assume_multiple %add3A_11, 16 : i32
      %mul3A_12 = arith.constant 4 : i32
      %mul3A_13 = arith.muli %multiple_of3A, %mul3A_12 : i32
      "tpu.region"() ({
        %run_scoped3A = tpu.sem_alloc : memref<!tpu.dma_semaphore, #tpu.memory_space<semaphore_mem>>
        %dma_start3A_24 = tpu.memref_slice %arg3[%mul3A_13] : memref<65536xi32, #tpu.memory_space<hbm>> -> memref<64xi32, #tpu.memory_space<hbm>>
        %dma_start3A_25 = tpu.memref_slice %arg3[%mul3A_13] : memref<65536xi32, #tpu.memory_space<hbm>> -> memref<64xi32, #tpu.memory_space<hbm>>
        tpu.enqueue_dma source(%dma_start3A_25 : memref<64xi32, #tpu.memory_space<hbm>>) target(%arg5 : memref<64xi32, #tpu.memory_space<vmem>>) target_semaphore(%run_scoped3A : memref<!tpu.dma_semaphore, #tpu.memory_space<semaphore_mem>>)
        %dma_wait3A_26 = tpu.memref_slice %arg3[%mul3A_13] : memref<65536xi32, #tpu.memory_space<hbm>> -> memref<64xi32, #tpu.memory_space<hbm>>
        %dma_wait3A_27 = tpu.memref_slice %arg3[%mul3A_13] : memref<65536xi32, #tpu.memory_space<hbm>> -> memref<64xi32, #tpu.memory_space<hbm>>
        tpu.wait_dma2 semaphore(%run_scoped3A : memref<!tpu.dma_semaphore, #tpu.memory_space<semaphore_mem>>) src(%dma_wait3A_27 : memref<64xi32, #tpu.memory_space<hbm>>) dst(%arg5 : memref<64xi32, #tpu.memory_space<vmem>>)
        tpu.yield
      }) : () -> ()
      %dma_start3A = arith.constant 0 : i32
      %dma_start3A_14 = arith.constant 0 : i32
      %dma_start3A_15 = tpu.memref_slice %arg2[%dma_start3A, %dma_start3A_14] : memref<4104x768xf32, #tpu.memory_space<hbm>> -> memref<4104x768xf32, #tpu.memory_space<hbm>>
      tpu.enqueue_indirect_dma source(%dma_start3A_15 : memref<4104x768xf32, #tpu.memory_space<hbm>>) target(%arg6 : memref<64x768xf32, #tpu.memory_space<vmem>>) offsets(%arg5 : memref<64xi32, #tpu.memory_space<vmem>>) semaphore(%arg8 : memref<!tpu.dma_semaphore, #tpu.memory_space<semaphore_mem>>)
      %dma_wait3A = arith.constant 0 : i32
      %dma_wait3A_16 = arith.constant 0 : i32
      %dma_wait3A_17 = tpu.memref_slice %arg2[%dma_wait3A, %dma_wait3A_16] : memref<4104x768xf32, #tpu.memory_space<hbm>> -> memref<4104x768xf32, #tpu.memory_space<hbm>>
      tpu.wait_indirect_dma semaphore(%arg8 : memref<!tpu.dma_semaphore, #tpu.memory_space<semaphore_mem>>) src(%dma_wait3A_17 : memref<4104x768xf32, #tpu.memory_space<hbm>>) dst(%arg6 : memref<64x768xf32, #tpu.memory_space<vmem>>)
      %scan3A_18 = arith.constant 0 : i32
      %scan3A_19 = arith.constant 0 : i32
      %scan3A_20 = arith.constant 48 : i32
      %scan3A_21 = arith.addi %scan3A_19, %scan3A_20 : i32
      %scan3A_22 = arith.constant 1 : i32
      scf.for %scan3A_24 = %scan3A_19 to %scan3A_21 step %scan3A_22  : i32 {
        %mul3A_25 = arith.constant 16 : i32
        %mul3A_26 = arith.muli %scan3A_24, %mul3A_25 : i32
        %get3A = arith.constant 0 : i32
        %get3A_27 = arith.index_cast %get3A : i32 to index
        %get3A_28 = arith.index_cast %mul3A_26 : i32 to index
        %get3A_29 = tpu.vector_load %arg6[%get3A_27, %get3A_28] {strides = array<i32>} : memref<64x768xf32, #tpu.memory_space<vmem>>, vector<1x16xf32>,
        %get3A_30 = vector.shape_cast %get3A_29 : vector<1x16xf32> to vector<16xf32>
        %get3A_31 = arith.constant 1 : i32
        %get3A_32 = arith.index_cast %get3A_31 : i32 to index
        %get3A_33 = arith.index_cast %mul3A_26 : i32 to index
        %get3A_34 = tpu.vector_load %arg6[%get3A_32, %get3A_33] {strides = array<i32>} : memref<64x768xf32, #tpu.memory_space<vmem>>, vector<1x16xf32>,
        %get3A_35 = vector.shape_cast %get3A_34 : vector<1x16xf32> to vector<16xf32>
        %add3A_36 = arith.addf %get3A_30, %get3A_35 : vector<16xf32>
        %get3A_37 = arith.constant 2 : i32
        %get3A_38 = arith.index_cast %get3A_37 : i32 to index
        %get3A_39 = arith.index_cast %mul3A_26 : i32 to index
        %get3A_40 = tpu.vector_load %arg6[%get3A_38, %get3A_39] {strides = array<i32>} : memref<64x768xf32, #tpu.memory_space<vmem>>, vector<1x16xf32>,
        %get3A_41 = vector.shape_cast %get3A_40 : vector<1x16xf32> to vector<16xf32>
        %add3A_42 = arith.addf %add3A_36, %get3A_41 : vector<16xf32>
        %get3A_43 = arith.constant 3 : i32
        %get3A_44 = arith.index_cast %get3A_43 : i32 to index
        %get3A_45 = arith.index_cast %mul3A_26 : i32 to index
        %get3A_46 = tpu.vector_load %arg6[%get3A_44, %get3A_45] {strides = array<i32>} : memref<64x768xf32, #tpu.memory_space<vmem>>, vector<1x16xf32>,
        %get3A_47 = vector.shape_cast %get3A_46 : vector<1x16xf32> to vector<16xf32>
        %add3A_48 = arith.addf %add3A_42, %get3A_47 : vector<16xf32>
        %swap3A = arith.constant 0 : i32
        %swap3A_49 = arith.index_cast %swap3A : i32 to index
        %swap3A_50 = arith.index_cast %mul3A_26 : i32 to index
        %swap3A_51 = tpu.vector_load %arg7[%swap3A_49, %swap3A_50] {strides = array<i32>} : memref<16x768xf32, #tpu.memory_space<vmem>>, vector<1x16xf32>,
        %swap3A_52 = vector.shape_cast %swap3A_51 : vector<1x16xf32> to vector<16xf32>
        %swap3A_53 = vector.shape_cast %add3A_48 : vector<16xf32> to vector<1x16xf32>
        tpu.vector_store %arg7[%swap3A_49, %swap3A_50], %swap3A_53 {strides = array<i32>} : memref<16x768xf32, #tpu.memory_space<vmem>>, vector<1x16xf32>,
        %get3A_54 = arith.constant 4 : i32
        %get3A_55 = arith.index_cast %get3A_54 : i32 to index
        %get3A_56 = arith.index_cast %mul3A_26 : i32 to index
        %get3A_57 = tpu.vector_load %arg6[%get3A_55, %get3A_56] {strides = array<i32>} : memref<64x768xf32, #tpu.memory_space<vmem>>, vector<1x16xf32>,
        %get3A_58 = vector.shape_cast %get3A_57 : vector<1x16xf32> to vector<16xf32>
        %get3A_59 = arith.constant 5 : i32
        %get3A_60 = arith.index_cast %get3A_59 : i32 to index
        %get3A_61 = arith.index_cast %mul3A_26 : i32 to index
        %get3A_62 = tpu.vector_load %arg6[%get3A_60, %get3A_61] {strides = array<i32>} : memref<64x768xf32, #tpu.memory_space<vmem>>, vector<1x16xf32>,
        %get3A_63 = vector.shape_cast %get3A_62 : vector<1x16xf32> to vector<16xf32>
        %add3A_64 = arith.addf %get3A_58, %get3A_63 : vector<16xf32>
        %get3A_65 = arith.constant 6 : i32
        %get3A_66 = arith.index_cast %get3A_65 : i32 to index
        %get3A_67 = arith.index_cast %mul3A_26 : i32 to index
        %get3A_68 = tpu.vector_load %arg6[%get3A_66, %get3A_67] {strides = array<i32>} : memref<64x768xf32, #tpu.memory_space<vmem>>, vector<1x16xf32>,
        %get3A_69 = vector.shape_cast %get3A_68 : vector<1x16xf32> to vector<16xf32>
        %add3A_70 = arith.addf %add3A_64, %get3A_69 : vector<16xf32>
        %get3A_71 = arith.constant 7 : i32
        %get3A_72 = arith.index_cast %get3A_71 : i32 to index
        %get3A_73 = arith.index_cast %mul3A_26 : i32 to index
        %get3A_74 = tpu.vector_load %arg6[%get3A_72, %get3A_73] {strides = array<i32>} : memref<64x768xf32, #tpu.memory_space<vmem>>, vector<1x16xf32>,
        %get3A_75 = vector.shape_cast %get3A_74 : vector<1x16xf32> to vector<16xf32>
        %add3A_76 = arith.addf %add3A_70, %get3A_75 : vector<16xf32>
        %swap3A_77 = arith.constant 1 : i32
        %swap3A_78 = arith.index_cast %swap3A_77 : i32 to index
        %swap3A_79 = arith.index_cast %mul3A_26 : i32 to index
        %swap3A_80 = tpu.vector_load %arg7[%swap3A_78, %swap3A_79] {strides = array<i32>} : memref<16x768xf32, #tpu.memory_space<vmem>>, vector<1x16xf32>,
        %swap3A_81 = vector.shape_cast %swap3A_80 : vector<1x16xf32> to vector<16xf32>
        %swap3A_82 = vector.shape_cast %add3A_76 : vector<16xf32> to vector<1x16xf32>
        tpu.vector_store %arg7[%swap3A_78, %swap3A_79], %swap3A_82 {strides = array<i32>} : memref<16x768xf32, #tpu.memory_space<vmem>>, vector<1x16xf32>,
        %get3A_83 = arith.constant 8 : i32
        %get3A_84 = arith.index_cast %get3A_83 : i32 to index
        %get3A_85 = arith.index_cast %mul3A_26 : i32 to index
        %get3A_86 = tpu.vector_load %arg6[%get3A_84, %get3A_85] {strides = array<i32>} : memref<64x768xf32, #tpu.memory_space<vmem>>, vector<1x16xf32>,
        %get3A_87 = vector.shape_cast %get3A_86 : vector<1x16xf32> to vector<16xf32>
        %get3A_88 = arith.constant 9 : i32
        %get3A_89 = arith.index_cast %get3A_88 : i32 to index
        %get3A_90 = arith.index_cast %mul3A_26 : i32 to index
        %get3A_91 = tpu.vector_load %arg6[%get3A_89, %get3A_90] {strides = array<i32>} : memref<64x768xf32, #tpu.memory_space<vmem>>, vector<1x16xf32>,
        %get3A_92 = vector.shape_cast %get3A_91 : vector<1x16xf32> to vector<16xf32>
        %add3A_93 = arith.addf %get3A_87, %get3A_92 : vector<16xf32>
        %get3A_94 = arith.constant 10 : i32
        %get3A_95 = arith.index_cast %get3A_94 : i32 to index
        %get3A_96 = arith.index_cast %mul3A_26 : i32 to index
        %get3A_97 = tpu.vector_load %arg6[%get3A_95, %get3A_96] {strides = array<i32>} : memref<64x768xf32, #tpu.memory_space<vmem>>, vector<1x16xf32>,
        %get3A_98 = vector.shape_cast %get3A_97 : vector<1x16xf32> to vector<16xf32>
        %add3A_99 = arith.addf %add3A_93, %get3A_98 : vector<16xf32>
        %get3A_100 = arith.constant 11 : i32
        %get3A_101 = arith.index_cast %get3A_100 : i32 to index
        %get3A_102 = arith.index_cast %mul3A_26 : i32 to index
        %get3A_103 = tpu.vector_load %arg6[%get3A_101, %get3A_102] {strides = array<i32>} : memref<64x768xf32, #tpu.memory_space<vmem>>, vector<1x16xf32>,
        %get3A_104 = vector.shape_cast %get3A_103 : vector<1x16xf32> to vector<16xf32>
        %add3A_105 = arith.addf %add3A_99, %get3A_104 : vector<16xf32>
        %swap3A_106 = arith.constant 2 : i32
        %swap3A_107 = arith.index_cast %swap3A_106 : i32 to index
        %swap3A_108 = arith.index_cast %mul3A_26 : i32 to index
        %swap3A_109 = tpu.vector_load %arg7[%swap3A_107, %swap3A_108] {strides = array<i32>} : memref<16x768xf32, #tpu.memory_space<vmem>>, vector<1x16xf32>,
        %swap3A_110 = vector.shape_cast %swap3A_109 : vector<1x16xf32> to vector<16xf32>
        %swap3A_111 = vector.shape_cast %add3A_105 : vector<16xf32> to vector<1x16xf32>
        tpu.vector_store %arg7[%swap3A_107, %swap3A_108], %swap3A_111 {strides = array<i32>} : memref<16x768xf32, #tpu.memory_space<vmem>>, vector<1x16xf32>,
        %get3A_112 = arith.constant 12 : i32
        %get3A_113 = arith.index_cast %get3A_112 : i32 to index
        %get3A_114 = arith.index_cast %mul3A_26 : i32 to index
        %get3A_115 = tpu.vector_load %arg6[%get3A_113, %get3A_114] {strides = array<i32>} : memref<64x768xf32, #tpu.memory_space<vmem>>, vector<1x16xf32>,
        %get3A_116 = vector.shape_cast %get3A_115 : vector<1x16xf32> to vector<16xf32>
        %get3A_117 = arith.constant 13 : i32
        %get3A_118 = arith.index_cast %get3A_117 : i32 to index
        %get3A_119 = arith.index_cast %mul3A_26 : i32 to index
        %get3A_120 = tpu.vector_load %arg6[%get3A_118, %get3A_119] {strides = array<i32>} : memref<64x768xf32, #tpu.memory_space<vmem>>, vector<1x16xf32>,
        %get3A_121 = vector.shape_cast %get3A_120 : vector<1x16xf32> to vector<16xf32>
        %add3A_122 = arith.addf %get3A_116, %get3A_121 : vector<16xf32>
        %get3A_123 = arith.constant 14 : i32
        %get3A_124 = arith.index_cast %get3A_123 : i32 to index
        %get3A_125 = arith.index_cast %mul3A_26 : i32 to index
        %get3A_126 = tpu.vector_load %arg6[%get3A_124, %get3A_125] {strides = array<i32>} : memref<64x768xf32, #tpu.memory_space<vmem>>, vector<1x16xf32>,
        %get3A_127 = vector.shape_cast %get3A_126 : vector<1x16xf32> to vector<16xf32>
        %add3A_128 = arith.addf %add3A_122, %get3A_127 : vector<16xf32>
        %get3A_129 = arith.constant 15 : i32
        %get3A_130 = arith.index_cast %get3A_129 : i32 to index
        %get3A_131 = arith.index_cast %mul3A_26 : i32 to index
        %get3A_132 = tpu.vector_load %arg6[%get3A_130, %get3A_131] {strides = array<i32>} : memref<64x768xf32, #tpu.memory_space<vmem>>, vector<1x16xf32>,
        %get3A_133 = vector.shape_cast %get3A_132 : vector<1x16xf32> to vector<16xf32>
        %add3A_134 = arith.addf %add3A_128, %get3A_133 : vector<16xf32>
        %swap3A_135 = arith.constant 3 : i32
        %swap3A_136 = arith.index_cast %swap3A_135 : i32 to index
        %swap3A_137 = arith.index_cast %mul3A_26 : i32 to index
        %swap3A_138 = tpu.vector_load %arg7[%swap3A_136, %swap3A_137] {strides = array<i32>} : memref<16x768xf32, #tpu.memory_space<vmem>>, vector<1x16xf32>,
        %swap3A_139 = vector.shape_cast %swap3A_138 : vector<1x16xf32> to vector<16xf32>
        %swap3A_140 = vector.shape_cast %add3A_134 : vector<16xf32> to vector<1x16xf32>
        tpu.vector_store %arg7[%swap3A_136, %swap3A_137], %swap3A_140 {strides = array<i32>} : memref<16x768xf32, #tpu.memory_space<vmem>>, vector<1x16xf32>,
        %get3A_141 = arith.constant 16 : i32
        %get3A_142 = arith.index_cast %get3A_141 : i32 to index
        %get3A_143 = arith.index_cast %mul3A_26 : i32 to index
        %get3A_144 = tpu.vector_load %arg6[%get3A_142, %get3A_143] {strides = array<i32>} : memref<64x768xf32, #tpu.memory_space<vmem>>, vector<1x16xf32>,
        %get3A_145 = vector.shape_cast %get3A_144 : vector<1x16xf32> to vector<16xf32>
        %get3A_146 = arith.constant 17 : i32
        %get3A_147 = arith.index_cast %get3A_146 : i32 to index
        %get3A_148 = arith.index_cast %mul3A_26 : i32 to index
        %get3A_149 = tpu.vector_load %arg6[%get3A_147, %get3A_148] {strides = array<i32>} : memref<64x768xf32, #tpu.memory_space<vmem>>, vector<1x16xf32>,
        %get3A_150 = vector.shape_cast %get3A_149 : vector<1x16xf32> to vector<16xf32>
        %add3A_151 = arith.addf %get3A_145, %get3A_150 : vector<16xf32>
        %get3A_152 = arith.constant 18 : i32
        %get3A_153 = arith.index_cast %get3A_152 : i32 to index
        %get3A_154 = arith.index_cast %mul3A_26 : i32 to index
        %get3A_155 = tpu.vector_load %arg6[%get3A_153, %get3A_154] {strides = array<i32>} : memref<64x768xf32, #tpu.memory_space<vmem>>, vector<1x16xf32>,
        %get3A_156 = vector.shape_cast %get3A_155 : vector<1x16xf32> to vector<16xf32>
        %add3A_157 = arith.addf %add3A_151, %get3A_156 : vector<16xf32>
        %get3A_158 = arith.constant 19 : i32
        %get3A_159 = arith.index_cast %get3A_158 : i32 to index
        %get3A_160 = arith.index_cast %mul3A_26 : i32 to index
        %get3A_161 = tpu.vector_load %arg6[%get3A_159, %get3A_160] {strides = array<i32>} : memref<64x768xf32, #tpu.memory_space<vmem>>, vector<1x16xf32>,
        %get3A_162 = vector.shape_cast %get3A_161 : vector<1x16xf32> to vector<16xf32>
        %add3A_163 = arith.addf %add3A_157, %get3A_162 : vector<16xf32>
        %swap3A_164 = arith.constant 4 : i32
        %swap3A_165 = arith.index_cast %swap3A_164 : i32 to index
        %swap3A_166 = arith.index_cast %mul3A_26 : i32 to index
        %swap3A_167 = tpu.vector_load %arg7[%swap3A_165, %swap3A_166] {strides = array<i32>} : memref<16x768xf32, #tpu.memory_space<vmem>>, vector<1x16xf32>,
        %swap3A_168 = vector.shape_cast %swap3A_167 : vector<1x16xf32> to vector<16xf32>
        %swap3A_169 = vector.shape_cast %add3A_163 : vector<16xf32> to vector<1x16xf32>
        tpu.vector_store %arg7[%swap3A_165, %swap3A_166], %swap3A_169 {strides = array<i32>} : memref<16x768xf32, #tpu.memory_space<vmem>>, vector<1x16xf32>,
        %get3A_170 = arith.constant 20 : i32
        %get3A_171 = arith.index_cast %get3A_170 : i32 to index
        %get3A_172 = arith.index_cast %mul3A_26 : i32 to index
        %get3A_173 = tpu.vector_load %arg6[%get3A_171, %get3A_172] {strides = array<i32>} : memref<64x768xf32, #tpu.memory_space<vmem>>, vector<1x16xf32>,
        %get3A_174 = vector.shape_cast %get3A_173 : vector<1x16xf32> to vector<16xf32>
        %get3A_175 = arith.constant 21 : i32
        %get3A_176 = arith.index_cast %get3A_175 : i32 to index
        %get3A_177 = arith.index_cast %mul3A_26 : i32 to index
        %get3A_178 = tpu.vector_load %arg6[%get3A_176, %get3A_177] {strides = array<i32>} : memref<64x768xf32, #tpu.memory_space<vmem>>, vector<1x16xf32>,
        %get3A_179 = vector.shape_cast %get3A_178 : vector<1x16xf32> to vector<16xf32>
        %add3A_180 = arith.addf %get3A_174, %get3A_179 : vector<16xf32>
        %get3A_181 = arith.constant 22 : i32
        %get3A_182 = arith.index_cast %get3A_181 : i32 to index
        %get3A_183 = arith.index_cast %mul3A_26 : i32 to index
        %get3A_184 = tpu.vector_load %arg6[%get3A_182, %get3A_183] {strides = array<i32>} : memref<64x768xf32, #tpu.memory_space<vmem>>, vector<1x16xf32>,
        %get3A_185 = vector.shape_cast %get3A_184 : vector<1x16xf32> to vector<16xf32>
        %add3A_186 = arith.addf %add3A_180, %get3A_185 : vector<16xf32>
        %get3A_187 = arith.constant 23 : i32
        %get3A_188 = arith.index_cast %get3A_187 : i32 to index
        %get3A_189 = arith.index_cast %mul3A_26 : i32 to index
        %get3A_190 = tpu.vector_load %arg6[%get3A_188, %get3A_189] {strides = array<i32>} : memref<64x768xf32, #tpu.memory_space<vmem>>, vector<1x16xf32>,
        %get3A_191 = vector.shape_cast %get3A_190 : vector<1x16xf32> to vector<16xf32>
        %add3A_192 = arith.addf %add3A_186, %get3A_191 : vector<16xf32>
        %swap3A_193 = arith.constant 5 : i32
        %swap3A_194 = arith.index_cast %swap3A_193 : i32 to index
        %swap3A_195 = arith.index_cast %mul3A_26 : i32 to index
        %swap3A_196 = tpu.vector_load %arg7[%swap3A_194, %swap3A_195] {strides = array<i32>} : memref<16x768xf32, #tpu.memory_space<vmem>>, vector<1x16xf32>,
        %swap3A_197 = vector.shape_cast %swap3A_196 : vector<1x16xf32> to vector<16xf32>
        %swap3A_198 = vector.shape_cast %add3A_192 : vector<16xf32> to vector<1x16xf32>
        tpu.vector_store %arg7[%swap3A_194, %swap3A_195], %swap3A_198 {strides = array<i32>} : memref<16x768xf32, #tpu.memory_space<vmem>>, vector<1x16xf32>,
        %get3A_199 = arith.constant 24 : i32
        %get3A_200 = arith.index_cast %get3A_199 : i32 to index
        %get3A_201 = arith.index_cast %mul3A_26 : i32 to index
        %get3A_202 = tpu.vector_load %arg6[%get3A_200, %get3A_201] {strides = array<i32>} : memref<64x768xf32, #tpu.memory_space<vmem>>, vector<1x16xf32>,
        %get3A_203 = vector.shape_cast %get3A_202 : vector<1x16xf32> to vector<16xf32>
        %get3A_204 = arith.constant 25 : i32
        %get3A_205 = arith.index_cast %get3A_204 : i32 to index
        %get3A_206 = arith.index_cast %mul3A_26 : i32 to index
        %get3A_207 = tpu.vector_load %arg6[%get3A_205, %get3A_206] {strides = array<i32>} : memref<64x768xf32, #tpu.memory_space<vmem>>, vector<1x16xf32>,
        %get3A_208 = vector.shape_cast %get3A_207 : vector<1x16xf32> to vector<16xf32>
        %add3A_209 = arith.addf %get3A_203, %get3A_208 : vector<16xf32>
        %get3A_210 = arith.constant 26 : i32
        %get3A_211 = arith.index_cast %get3A_210 : i32 to index
        %get3A_212 = arith.index_cast %mul3A_26 : i32 to index
        %get3A_213 = tpu.vector_load %arg6[%get3A_211, %get3A_212] {strides = array<i32>} : memref<64x768xf32, #tpu.memory_space<vmem>>, vector<1x16xf32>,
        %get3A_214 = vector.shape_cast %get3A_213 : vector<1x16xf32> to vector<16xf32>
        %add3A_215 = arith.addf %add3A_209, %get3A_214 : vector<16xf32>
        %get3A_216 = arith.constant 27 : i32
        %get3A_217 = arith.index_cast %get3A_216 : i32 to index
        %get3A_218 = arith.index_cast %mul3A_26 : i32 to index
        %get3A_219 = tpu.vector_load %arg6[%get3A_217, %get3A_218] {strides = array<i32>} : memref<64x768xf32, #tpu.memory_space<vmem>>, vector<1x16xf32>,
        %get3A_220 = vector.shape_cast %get3A_219 : vector<1x16xf32> to vector<16xf32>
        %add3A_221 = arith.addf %add3A_215, %get3A_220 : vector<16xf32>
        %swap3A_222 = arith.constant 6 : i32
        %swap3A_223 = arith.index_cast %swap3A_222 : i32 to index
        %swap3A_224 = arith.index_cast %mul3A_26 : i32 to index
        %swap3A_225 = tpu.vector_load %arg7[%swap3A_223, %swap3A_224] {strides = array<i32>} : memref<16x768xf32, #tpu.memory_space<vmem>>, vector<1x16xf32>,
        %swap3A_226 = vector.shape_cast %swap3A_225 : vector<1x16xf32> to vector<16xf32>
        %swap3A_227 = vector.shape_cast %add3A_221 : vector<16xf32> to vector<1x16xf32>
        tpu.vector_store %arg7[%swap3A_223, %swap3A_224], %swap3A_227 {strides = array<i32>} : memref<16x768xf32, #tpu.memory_space<vmem>>, vector<1x16xf32>,
        %get3A_228 = arith.constant 28 : i32
        %get3A_229 = arith.index_cast %get3A_228 : i32 to index
        %get3A_230 = arith.index_cast %mul3A_26 : i32 to index
        %get3A_231 = tpu.vector_load %arg6[%get3A_229, %get3A_230] {strides = array<i32>} : memref<64x768xf32, #tpu.memory_space<vmem>>, vector<1x16xf32>,
        %get3A_232 = vector.shape_cast %get3A_231 : vector<1x16xf32> to vector<16xf32>
        %get3A_233 = arith.constant 29 : i32
        %get3A_234 = arith.index_cast %get3A_233 : i32 to index
        %get3A_235 = arith.index_cast %mul3A_26 : i32 to index
        %get3A_236 = tpu.vector_load %arg6[%get3A_234, %get3A_235] {strides = array<i32>} : memref<64x768xf32, #tpu.memory_space<vmem>>, vector<1x16xf32>,
        %get3A_237 = vector.shape_cast %get3A_236 : vector<1x16xf32> to vector<16xf32>
        %add3A_238 = arith.addf %get3A_232, %get3A_237 : vector<16xf32>
        %get3A_239 = arith.constant 30 : i32
        %get3A_240 = arith.index_cast %get3A_239 : i32 to index
        %get3A_241 = arith.index_cast %mul3A_26 : i32 to index
        %get3A_242 = tpu.vector_load %arg6[%get3A_240, %get3A_241] {strides = array<i32>} : memref<64x768xf32, #tpu.memory_space<vmem>>, vector<1x16xf32>,
        %get3A_243 = vector.shape_cast %get3A_242 : vector<1x16xf32> to vector<16xf32>
        %add3A_244 = arith.addf %add3A_238, %get3A_243 : vector<16xf32>
        %get3A_245 = arith.constant 31 : i32
        %get3A_246 = arith.index_cast %get3A_245 : i32 to index
        %get3A_247 = arith.index_cast %mul3A_26 : i32 to index
        %get3A_248 = tpu.vector_load %arg6[%get3A_246, %get3A_247] {strides = array<i32>} : memref<64x768xf32, #tpu.memory_space<vmem>>, vector<1x16xf32>,
        %get3A_249 = vector.shape_cast %get3A_248 : vector<1x16xf32> to vector<16xf32>
        %add3A_250 = arith.addf %add3A_244, %get3A_249 : vector<16xf32>
        %swap3A_251 = arith.constant 7 : i32
        %swap3A_252 = arith.index_cast %swap3A_251 : i32 to index
        %swap3A_253 = arith.index_cast %mul3A_26 : i32 to index
        %swap3A_254 = tpu.vector_load %arg7[%swap3A_252, %swap3A_253] {strides = array<i32>} : memref<16x768xf32, #tpu.memory_space<vmem>>, vector<1x16xf32>,
        %swap3A_255 = vector.shape_cast %swap3A_254 : vector<1x16xf32> to vector<16xf32>
        %swap3A_256 = vector.shape_cast %add3A_250 : vector<16xf32> to vector<1x16xf32>
        tpu.vector_store %arg7[%swap3A_252, %swap3A_253], %swap3A_256 {strides = array<i32>} : memref<16x768xf32, #tpu.memory_space<vmem>>, vector<1x16xf32>,
        %get3A_257 = arith.constant 32 : i32
        %get3A_258 = arith.index_cast %get3A_257 : i32 to index
        %get3A_259 = arith.index_cast %mul3A_26 : i32 to index
        %get3A_260 = tpu.vector_load %arg6[%get3A_258, %get3A_259] {strides = array<i32>} : memref<64x768xf32, #tpu.memory_space<vmem>>, vector<1x16xf32>,
        %get3A_261 = vector.shape_cast %get3A_260 : vector<1x16xf32> to vector<16xf32>
        %get3A_262 = arith.constant 33 : i32
        %get3A_263 = arith.index_cast %get3A_262 : i32 to index
        %get3A_264 = arith.index_cast %mul3A_26 : i32 to index
        %get3A_265 = tpu.vector_load %arg6[%get3A_263, %get3A_264] {strides = array<i32>} : memref<64x768xf32, #tpu.memory_space<vmem>>, vector<1x16xf32>,
        %get3A_266 = vector.shape_cast %get3A_265 : vector<1x16xf32> to vector<16xf32>
        %add3A_267 = arith.addf %get3A_261, %get3A_266 : vector<16xf32>
        %get3A_268 = arith.constant 34 : i32
        %get3A_269 = arith.index_cast %get3A_268 : i32 to index
        %get3A_270 = arith.index_cast %mul3A_26 : i32 to index
        %get3A_271 = tpu.vector_load %arg6[%get3A_269, %get3A_270] {strides = array<i32>} : memref<64x768xf32, #tpu.memory_space<vmem>>, vector<1x16xf32>,
        %get3A_272 = vector.shape_cast %get3A_271 : vector<1x16xf32> to vector<16xf32>
        %add3A_273 = arith.addf %add3A_267, %get3A_272 : vector<16xf32>
        %get3A_274 = arith.constant 35 : i32
        %get3A_275 = arith.index_cast %get3A_274 : i32 to index
        %get3A_276 = arith.index_cast %mul3A_26 : i32 to index
        %get3A_277 = tpu.vector_load %arg6[%get3A_275, %get3A_276] {strides = array<i32>} : memref<64x768xf32, #tpu.memory_space<vmem>>, vector<1x16xf32>,
        %get3A_278 = vector.shape_cast %get3A_277 : vector<1x16xf32> to vector<16xf32>
        %add3A_279 = arith.addf %add3A_273, %get3A_278 : vector<16xf32>
        %swap3A_280 = arith.constant 8 : i32
        %swap3A_281 = arith.index_cast %swap3A_280 : i32 to index
        %swap3A_282 = arith.index_cast %mul3A_26 : i32 to index
        %swap3A_283 = tpu.vector_load %arg7[%swap3A_281, %swap3A_282] {strides = array<i32>} : memref<16x768xf32, #tpu.memory_space<vmem>>, vector<1x16xf32>,
        %swap3A_284 = vector.shape_cast %swap3A_283 : vector<1x16xf32> to vector<16xf32>
        %swap3A_285 = vector.shape_cast %add3A_279 : vector<16xf32> to vector<1x16xf32>
        tpu.vector_store %arg7[%swap3A_281, %swap3A_282], %swap3A_285 {strides = array<i32>} : memref<16x768xf32, #tpu.memory_space<vmem>>, vector<1x16xf32>,
        %get3A_286 = arith.constant 36 : i32
        %get3A_287 = arith.index_cast %get3A_286 : i32 to index
        %get3A_288 = arith.index_cast %mul3A_26 : i32 to index
        %get3A_289 = tpu.vector_load %arg6[%get3A_287, %get3A_288] {strides = array<i32>} : memref<64x768xf32, #tpu.memory_space<vmem>>, vector<1x16xf32>,
        %get3A_290 = vector.shape_cast %get3A_289 : vector<1x16xf32> to vector<16xf32>
        %get3A_291 = arith.constant 37 : i32
        %get3A_292 = arith.index_cast %get3A_291 : i32 to index
        %get3A_293 = arith.index_cast %mul3A_26 : i32 to index
        %get3A_294 = tpu.vector_load %arg6[%get3A_292, %get3A_293] {strides = array<i32>} : memref<64x768xf32, #tpu.memory_space<vmem>>, vector<1x16xf32>,
        %get3A_295 = vector.shape_cast %get3A_294 : vector<1x16xf32> to vector<16xf32>
        %add3A_296 = arith.addf %get3A_290, %get3A_295 : vector<16xf32>
        %get3A_297 = arith.constant 38 : i32
        %get3A_298 = arith.index_cast %get3A_297 : i32 to index
        %get3A_299 = arith.index_cast %mul3A_26 : i32 to index
        %get3A_300 = tpu.vector_load %arg6[%get3A_298, %get3A_299] {strides = array<i32>} : memref<64x768xf32, #tpu.memory_space<vmem>>, vector<1x16xf32>,
        %get3A_301 = vector.shape_cast %get3A_300 : vector<1x16xf32> to vector<16xf32>
        %add3A_302 = arith.addf %add3A_296, %get3A_301 : vector<16xf32>
        %get3A_303 = arith.constant 39 : i32
        %get3A_304 = arith.index_cast %get3A_303 : i32 to index
        %get3A_305 = arith.index_cast %mul3A_26 : i32 to index
        %get3A_306 = tpu.vector_load %arg6[%get3A_304, %get3A_305] {strides = array<i32>} : memref<64x768xf32, #tpu.memory_space<vmem>>, vector<1x16xf32>,
        %get3A_307 = vector.shape_cast %get3A_306 : vector<1x16xf32> to vector<16xf32>
        %add3A_308 = arith.addf %add3A_302, %get3A_307 : vector<16xf32>
        %swap3A_309 = arith.constant 9 : i32
        %swap3A_310 = arith.index_cast %swap3A_309 : i32 to index
        %swap3A_311 = arith.index_cast %mul3A_26 : i32 to index
        %swap3A_312 = tpu.vector_load %arg7[%swap3A_310, %swap3A_311] {strides = array<i32>} : memref<16x768xf32, #tpu.memory_space<vmem>>, vector<1x16xf32>,
        %swap3A_313 = vector.shape_cast %swap3A_312 : vector<1x16xf32> to vector<16xf32>
        %swap3A_314 = vector.shape_cast %add3A_308 : vector<16xf32> to vector<1x16xf32>
        tpu.vector_store %arg7[%swap3A_310, %swap3A_311], %swap3A_314 {strides = array<i32>} : memref<16x768xf32, #tpu.memory_space<vmem>>, vector<1x16xf32>,
        %get3A_315 = arith.constant 40 : i32
        %get3A_316 = arith.index_cast %get3A_315 : i32 to index
        %get3A_317 = arith.index_cast %mul3A_26 : i32 to index
        %get3A_318 = tpu.vector_load %arg6[%get3A_316, %get3A_317] {strides = array<i32>} : memref<64x768xf32, #tpu.memory_space<vmem>>, vector<1x16xf32>,
        %get3A_319 = vector.shape_cast %get3A_318 : vector<1x16xf32> to vector<16xf32>
        %get3A_320 = arith.constant 41 : i32
        %get3A_321 = arith.index_cast %get3A_320 : i32 to index
        %get3A_322 = arith.index_cast %mul3A_26 : i32 to index
        %get3A_323 = tpu.vector_load %arg6[%get3A_321, %get3A_322] {strides = array<i32>} : memref<64x768xf32, #tpu.memory_space<vmem>>, vector<1x16xf32>,
        %get3A_324 = vector.shape_cast %get3A_323 : vector<1x16xf32> to vector<16xf32>
        %add3A_325 = arith.addf %get3A_319, %get3A_324 : vector<16xf32>
        %get3A_326 = arith.constant 42 : i32
        %get3A_327 = arith.index_cast %get3A_326 : i32 to index
        %get3A_328 = arith.index_cast %mul3A_26 : i32 to index
        %get3A_329 = tpu.vector_load %arg6[%get3A_327, %get3A_328] {strides = array<i32>} : memref<64x768xf32, #tpu.memory_space<vmem>>, vector<1x16xf32>,
        %get3A_330 = vector.shape_cast %get3A_329 : vector<1x16xf32> to vector<16xf32>
        %add3A_331 = arith.addf %add3A_325, %get3A_330 : vector<16xf32>
        %get3A_332 = arith.constant 43 : i32
        %get3A_333 = arith.index_cast %get3A_332 : i32 to index
        %get3A_334 = arith.index_cast %mul3A_26 : i32 to index
        %get3A_335 = tpu.vector_load %arg6[%get3A_333, %get3A_334] {strides = array<i32>} : memref<64x768xf32, #tpu.memory_space<vmem>>, vector<1x16xf32>,
        %get3A_336 = vector.shape_cast %get3A_335 : vector<1x16xf32> to vector<16xf32>
        %add3A_337 = arith.addf %add3A_331, %get3A_336 : vector<16xf32>
        %swap3A_338 = arith.constant 10 : i32
        %swap3A_339 = arith.index_cast %swap3A_338 : i32 to index
        %swap3A_340 = arith.index_cast %mul3A_26 : i32 to index
        %swap3A_341 = tpu.vector_load %arg7[%swap3A_339, %swap3A_340] {strides = array<i32>} : memref<16x768xf32, #tpu.memory_space<vmem>>, vector<1x16xf32>,
        %swap3A_342 = vector.shape_cast %swap3A_341 : vector<1x16xf32> to vector<16xf32>
        %swap3A_343 = vector.shape_cast %add3A_337 : vector<16xf32> to vector<1x16xf32>
        tpu.vector_store %arg7[%swap3A_339, %swap3A_340], %swap3A_343 {strides = array<i32>} : memref<16x768xf32, #tpu.memory_space<vmem>>, vector<1x16xf32>,
        %get3A_344 = arith.constant 44 : i32
        %get3A_345 = arith.index_cast %get3A_344 : i32 to index
        %get3A_346 = arith.index_cast %mul3A_26 : i32 to index
        %get3A_347 = tpu.vector_load %arg6[%get3A_345, %get3A_346] {strides = array<i32>} : memref<64x768xf32, #tpu.memory_space<vmem>>, vector<1x16xf32>,
        %get3A_348 = vector.shape_cast %get3A_347 : vector<1x16xf32> to vector<16xf32>
        %get3A_349 = arith.constant 45 : i32
        %get3A_350 = arith.index_cast %get3A_349 : i32 to index
        %get3A_351 = arith.index_cast %mul3A_26 : i32 to index
        %get3A_352 = tpu.vector_load %arg6[%get3A_350, %get3A_351] {strides = array<i32>} : memref<64x768xf32, #tpu.memory_space<vmem>>, vector<1x16xf32>,
        %get3A_353 = vector.shape_cast %get3A_352 : vector<1x16xf32> to vector<16xf32>
        %add3A_354 = arith.addf %get3A_348, %get3A_353 : vector<16xf32>
        %get3A_355 = arith.constant 46 : i32
        %get3A_356 = arith.index_cast %get3A_355 : i32 to index
        %get3A_357 = arith.index_cast %mul3A_26 : i32 to index
        %get3A_358 = tpu.vector_load %arg6[%get3A_356, %get3A_357] {strides = array<i32>} : memref<64x768xf32, #tpu.memory_space<vmem>>, vector<1x16xf32>,
        %get3A_359 = vector.shape_cast %get3A_358 : vector<1x16xf32> to vector<16xf32>
        %add3A_360 = arith.addf %add3A_354, %get3A_359 : vector<16xf32>
        %get3A_361 = arith.constant 47 : i32
        %get3A_362 = arith.index_cast %get3A_361 : i32 to index
        %get3A_363 = arith.index_cast %mul3A_26 : i32 to index
        %get3A_364 = tpu.vector_load %arg6[%get3A_362, %get3A_363] {strides = array<i32>} : memref<64x768xf32, #tpu.memory_space<vmem>>, vector<1x16xf32>,
        %get3A_365 = vector.shape_cast %get3A_364 : vector<1x16xf32> to vector<16xf32>
        %add3A_366 = arith.addf %add3A_360, %get3A_365 : vector<16xf32>
        %swap3A_367 = arith.constant 11 : i32
        %swap3A_368 = arith.index_cast %swap3A_367 : i32 to index
        %swap3A_369 = arith.index_cast %mul3A_26 : i32 to index
        %swap3A_370 = tpu.vector_load %arg7[%swap3A_368, %swap3A_369] {strides = array<i32>} : memref<16x768xf32, #tpu.memory_space<vmem>>, vector<1x16xf32>,
        %swap3A_371 = vector.shape_cast %swap3A_370 : vector<1x16xf32> to vector<16xf32>
        %swap3A_372 = vector.shape_cast %add3A_366 : vector<16xf32> to vector<1x16xf32>
        tpu.vector_store %arg7[%swap3A_368, %swap3A_369], %swap3A_372 {strides = array<i32>} : memref<16x768xf32, #tpu.memory_space<vmem>>, vector<1x16xf32>,
        %get3A_373 = arith.constant 48 : i32
        %get3A_374 = arith.index_cast %get3A_373 : i32 to index
        %get3A_375 = arith.index_cast %mul3A_26 : i32 to index
        %get3A_376 = tpu.vector_load %arg6[%get3A_374, %get3A_375] {strides = array<i32>} : memref<64x768xf32, #tpu.memory_space<vmem>>, vector<1x16xf32>,
        %get3A_377 = vector.shape_cast %get3A_376 : vector<1x16xf32> to vector<16xf32>
        %get3A_378 = arith.constant 49 : i32
        %get3A_379 = arith.index_cast %get3A_378 : i32 to index
        %get3A_380 = arith.index_cast %mul3A_26 : i32 to index
        %get3A_381 = tpu.vector_load %arg6[%get3A_379, %get3A_380] {strides = array<i32>} : memref<64x768xf32, #tpu.memory_space<vmem>>, vector<1x16xf32>,
        %get3A_382 = vector.shape_cast %get3A_381 : vector<1x16xf32> to vector<16xf32>
        %add3A_383 = arith.addf %get3A_377, %get3A_382 : vector<16xf32>
        %get3A_384 = arith.constant 50 : i32
        %get3A_385 = arith.index_cast %get3A_384 : i32 to index
        %get3A_386 = arith.index_cast %mul3A_26 : i32 to index
        %get3A_387 = tpu.vector_load %arg6[%get3A_385, %get3A_386] {strides = array<i32>} : memref<64x768xf32, #tpu.memory_space<vmem>>, vector<1x16xf32>,
        %get3A_388 = vector.shape_cast %get3A_387 : vector<1x16xf32> to vector<16xf32>
        %add3A_389 = arith.addf %add3A_383, %get3A_388 : vector<16xf32>
        %get3A_390 = arith.constant 51 : i32
        %get3A_391 = arith.index_cast %get3A_390 : i32 to index
        %get3A_392 = arith.index_cast %mul3A_26 : i32 to index
        %get3A_393 = tpu.vector_load %arg6[%get3A_391, %get3A_392] {strides = array<i32>} : memref<64x768xf32, #tpu.memory_space<vmem>>, vector<1x16xf32>,
        %get3A_394 = vector.shape_cast %get3A_393 : vector<1x16xf32> to vector<16xf32>
        %add3A_395 = arith.addf %add3A_389, %get3A_394 : vector<16xf32>
        %swap3A_396 = arith.constant 12 : i32
        %swap3A_397 = arith.index_cast %swap3A_396 : i32 to index
        %swap3A_398 = arith.index_cast %mul3A_26 : i32 to index
        %swap3A_399 = tpu.vector_load %arg7[%swap3A_397, %swap3A_398] {strides = array<i32>} : memref<16x768xf32, #tpu.memory_space<vmem>>, vector<1x16xf32>,
        %swap3A_400 = vector.shape_cast %swap3A_399 : vector<1x16xf32> to vector<16xf32>
        %swap3A_401 = vector.shape_cast %add3A_395 : vector<16xf32> to vector<1x16xf32>
        tpu.vector_store %arg7[%swap3A_397, %swap3A_398], %swap3A_401 {strides = array<i32>} : memref<16x768xf32, #tpu.memory_space<vmem>>, vector<1x16xf32>,
        %get3A_402 = arith.constant 52 : i32
        %get3A_403 = arith.index_cast %get3A_402 : i32 to index
        %get3A_404 = arith.index_cast %mul3A_26 : i32 to index
        %get3A_405 = tpu.vector_load %arg6[%get3A_403, %get3A_404] {strides = array<i32>} : memref<64x768xf32, #tpu.memory_space<vmem>>, vector<1x16xf32>,
        %get3A_406 = vector.shape_cast %get3A_405 : vector<1x16xf32> to vector<16xf32>
        %get3A_407 = arith.constant 53 : i32
        %get3A_408 = arith.index_cast %get3A_407 : i32 to index
        %get3A_409 = arith.index_cast %mul3A_26 : i32 to index
        %get3A_410 = tpu.vector_load %arg6[%get3A_408, %get3A_409] {strides = array<i32>} : memref<64x768xf32, #tpu.memory_space<vmem>>, vector<1x16xf32>,
        %get3A_411 = vector.shape_cast %get3A_410 : vector<1x16xf32> to vector<16xf32>
        %add3A_412 = arith.addf %get3A_406, %get3A_411 : vector<16xf32>
        %get3A_413 = arith.constant 54 : i32
        %get3A_414 = arith.index_cast %get3A_413 : i32 to index
        %get3A_415 = arith.index_cast %mul3A_26 : i32 to index
        %get3A_416 = tpu.vector_load %arg6[%get3A_414, %get3A_415] {strides = array<i32>} : memref<64x768xf32, #tpu.memory_space<vmem>>, vector<1x16xf32>,
        %get3A_417 = vector.shape_cast %get3A_416 : vector<1x16xf32> to vector<16xf32>
        %add3A_418 = arith.addf %add3A_412, %get3A_417 : vector<16xf32>
        %get3A_419 = arith.constant 55 : i32
        %get3A_420 = arith.index_cast %get3A_419 : i32 to index
        %get3A_421 = arith.index_cast %mul3A_26 : i32 to index
        %get3A_422 = tpu.vector_load %arg6[%get3A_420, %get3A_421] {strides = array<i32>} : memref<64x768xf32, #tpu.memory_space<vmem>>, vector<1x16xf32>,
        %get3A_423 = vector.shape_cast %get3A_422 : vector<1x16xf32> to vector<16xf32>
        %add3A_424 = arith.addf %add3A_418, %get3A_423 : vector<16xf32>
        %swap3A_425 = arith.constant 13 : i32
        %swap3A_426 = arith.index_cast %swap3A_425 : i32 to index
        %swap3A_427 = arith.index_cast %mul3A_26 : i32 to index
        %swap3A_428 = tpu.vector_load %arg7[%swap3A_426, %swap3A_427] {strides = array<i32>} : memref<16x768xf32, #tpu.memory_space<vmem>>, vector<1x16xf32>,
        %swap3A_429 = vector.shape_cast %swap3A_428 : vector<1x16xf32> to vector<16xf32>
        %swap3A_430 = vector.shape_cast %add3A_424 : vector<16xf32> to vector<1x16xf32>
        tpu.vector_store %arg7[%swap3A_426, %swap3A_427], %swap3A_430 {strides = array<i32>} : memref<16x768xf32, #tpu.memory_space<vmem>>, vector<1x16xf32>,
        %get3A_431 = arith.constant 56 : i32
        %get3A_432 = arith.index_cast %get3A_431 : i32 to index
        %get3A_433 = arith.index_cast %mul3A_26 : i32 to index
        %get3A_434 = tpu.vector_load %arg6[%get3A_432, %get3A_433] {strides = array<i32>} : memref<64x768xf32, #tpu.memory_space<vmem>>, vector<1x16xf32>,
        %get3A_435 = vector.shape_cast %get3A_434 : vector<1x16xf32> to vector<16xf32>
        %get3A_436 = arith.constant 57 : i32
        %get3A_437 = arith.index_cast %get3A_436 : i32 to index
        %get3A_438 = arith.index_cast %mul3A_26 : i32 to index
        %get3A_439 = tpu.vector_load %arg6[%get3A_437, %get3A_438] {strides = array<i32>} : memref<64x768xf32, #tpu.memory_space<vmem>>, vector<1x16xf32>,
        %get3A_440 = vector.shape_cast %get3A_439 : vector<1x16xf32> to vector<16xf32>
        %add3A_441 = arith.addf %get3A_435, %get3A_440 : vector<16xf32>
        %get3A_442 = arith.constant 58 : i32
        %get3A_443 = arith.index_cast %get3A_442 : i32 to index
        %get3A_444 = arith.index_cast %mul3A_26 : i32 to index
        %get3A_445 = tpu.vector_load %arg6[%get3A_443, %get3A_444] {strides = array<i32>} : memref<64x768xf32, #tpu.memory_space<vmem>>, vector<1x16xf32>,
        %get3A_446 = vector.shape_cast %get3A_445 : vector<1x16xf32> to vector<16xf32>
        %add3A_447 = arith.addf %add3A_441, %get3A_446 : vector<16xf32>
        %get3A_448 = arith.constant 59 : i32
        %get3A_449 = arith.index_cast %get3A_448 : i32 to index
        %get3A_450 = arith.index_cast %mul3A_26 : i32 to index
        %get3A_451 = tpu.vector_load %arg6[%get3A_449, %get3A_450] {strides = array<i32>} : memref<64x768xf32, #tpu.memory_space<vmem>>, vector<1x16xf32>,
        %get3A_452 = vector.shape_cast %get3A_451 : vector<1x16xf32> to vector<16xf32>
        %add3A_453 = arith.addf %add3A_447, %get3A_452 : vector<16xf32>
        %swap3A_454 = arith.constant 14 : i32
        %swap3A_455 = arith.index_cast %swap3A_454 : i32 to index
        %swap3A_456 = arith.index_cast %mul3A_26 : i32 to index
        %swap3A_457 = tpu.vector_load %arg7[%swap3A_455, %swap3A_456] {strides = array<i32>} : memref<16x768xf32, #tpu.memory_space<vmem>>, vector<1x16xf32>,
        %swap3A_458 = vector.shape_cast %swap3A_457 : vector<1x16xf32> to vector<16xf32>
        %swap3A_459 = vector.shape_cast %add3A_453 : vector<16xf32> to vector<1x16xf32>
        tpu.vector_store %arg7[%swap3A_455, %swap3A_456], %swap3A_459 {strides = array<i32>} : memref<16x768xf32, #tpu.memory_space<vmem>>, vector<1x16xf32>,
        %get3A_460 = arith.constant 60 : i32
        %get3A_461 = arith.index_cast %get3A_460 : i32 to index
        %get3A_462 = arith.index_cast %mul3A_26 : i32 to index
        %get3A_463 = tpu.vector_load %arg6[%get3A_461, %get3A_462] {strides = array<i32>} : memref<64x768xf32, #tpu.memory_space<vmem>>, vector<1x16xf32>,
        %get3A_464 = vector.shape_cast %get3A_463 : vector<1x16xf32> to vector<16xf32>
        %get3A_465 = arith.constant 61 : i32
        %get3A_466 = arith.index_cast %get3A_465 : i32 to index
        %get3A_467 = arith.index_cast %mul3A_26 : i32 to index
        %get3A_468 = tpu.vector_load %arg6[%get3A_466, %get3A_467] {strides = array<i32>} : memref<64x768xf32, #tpu.memory_space<vmem>>, vector<1x16xf32>,
        %get3A_469 = vector.shape_cast %get3A_468 : vector<1x16xf32> to vector<16xf32>
        %add3A_470 = arith.addf %get3A_464, %get3A_469 : vector<16xf32>
        %get3A_471 = arith.constant 62 : i32
        %get3A_472 = arith.index_cast %get3A_471 : i32 to index
        %get3A_473 = arith.index_cast %mul3A_26 : i32 to index
        %get3A_474 = tpu.vector_load %arg6[%get3A_472, %get3A_473] {strides = array<i32>} : memref<64x768xf32, #tpu.memory_space<vmem>>, vector<1x16xf32>,
        %get3A_475 = vector.shape_cast %get3A_474 : vector<1x16xf32> to vector<16xf32>
        %add3A_476 = arith.addf %add3A_470, %get3A_475 : vector<16xf32>
        %get3A_477 = arith.constant 63 : i32
        %get3A_478 = arith.index_cast %get3A_477 : i32 to index
        %get3A_479 = arith.index_cast %mul3A_26 : i32 to index
        %get3A_480 = tpu.vector_load %arg6[%get3A_478, %get3A_479] {strides = array<i32>} : memref<64x768xf32, #tpu.memory_space<vmem>>, vector<1x16xf32>,
        %get3A_481 = vector.shape_cast %get3A_480 : vector<1x16xf32> to vector<16xf32>
        %add3A_482 = arith.addf %add3A_476, %get3A_481 : vector<16xf32>
        %swap3A_483 = arith.constant 15 : i32
        %swap3A_484 = arith.index_cast %swap3A_483 : i32 to index
        %swap3A_485 = arith.index_cast %mul3A_26 : i32 to index
        %swap3A_486 = tpu.vector_load %arg7[%swap3A_484, %swap3A_485] {strides = array<i32>} : memref<16x768xf32, #tpu.memory_space<vmem>>, vector<1x16xf32>,
        %swap3A_487 = vector.shape_cast %swap3A_486 : vector<1x16xf32> to vector<16xf32>
        %swap3A_488 = vector.shape_cast %add3A_482 : vector<16xf32> to vector<1x16xf32>
        tpu.vector_store %arg7[%swap3A_484, %swap3A_485], %swap3A_488 {strides = array<i32>} : memref<16x768xf32, #tpu.memory_space<vmem>>, vector<1x16xf32>,
      }
      %scan3A_23 = arith.constant 48 : i32
      "tpu.region"() ({
        %run_scoped3A = tpu.sem_alloc : memref<!tpu.dma_semaphore, #tpu.memory_space<semaphore_mem>>
        %dma_start3A_24 = arith.constant 0 : i32
        %dma_start3A_25 = tpu.memref_slice %arg4[%multiple_of3A, %dma_start3A_24] : memref<16384x768xf32, #tpu.memory_space<hbm>> -> memref<16x768xf32, #tpu.memory_space<hbm>>
        %dma_start3A_26 = arith.constant 0 : i32
        %dma_start3A_27 = tpu.memref_slice %arg4[%multiple_of3A, %dma_start3A_26] : memref<16384x768xf32, #tpu.memory_space<hbm>> -> memref<16x768xf32, #tpu.memory_space<hbm>>
        tpu.enqueue_dma source(%arg7 : memref<16x768xf32, #tpu.memory_space<vmem>>) target(%dma_start3A_27 : memref<16x768xf32, #tpu.memory_space<hbm>>) target_semaphore(%run_scoped3A : memref<!tpu.dma_semaphore, #tpu.memory_space<semaphore_mem>>)
        %dma_wait3A_28 = arith.constant 0 : i32
        %dma_wait3A_29 = tpu.memref_slice %arg4[%multiple_of3A, %dma_wait3A_28] : memref<16384x768xf32, #tpu.memory_space<hbm>> -> memref<16x768xf32, #tpu.memory_space<hbm>>
        %dma_wait3A_30 = arith.constant 0 : i32
        %dma_wait3A_31 = tpu.memref_slice %arg4[%multiple_of3A, %dma_wait3A_30] : memref<16384x768xf32, #tpu.memory_space<hbm>> -> memref<16x768xf32, #tpu.memory_space<hbm>>
        tpu.wait_dma2 semaphore(%run_scoped3A : memref<!tpu.dma_semaphore, #tpu.memory_space<semaphore_mem>>) src(%arg7 : memref<16x768xf32, #tpu.memory_space<vmem>>) dst(%dma_wait3A_31 : memref<16x768xf32, #tpu.memory_space<hbm>>)
        tpu.yield
      }) : () -> ()
    }
    %scan3A_7 = arith.constant 32 : i32
    return
  }
}

</mosaic_0001>

<sc_bundles>
// kernel: _gather.3.cloned.1.call-start
scs
__scs_entry_jumppad:
0x0: {  	(pc) =	sbr.rel $0x88, $3  }
0x1: {  	(tag) =	ssettag $0x0;
	lr =	simm.s32 $0x1  }
0x2: {  	[smem:$0x3F9F] =	sst lr;
	_ =	strace $0xD0000000  }
0x3: {  	_ = 	snop  }
0x4: {  	_ = 	snop  }
0x5: {  	_ = 	snop  }
0x6: {  	_ = 	snop  }
0x7: {  	_ = 	snop  }
__scs_overlays_trampoline_lowered:
0x8: {  	[smem:$0x3FAE] =	sst s0  }
0x9: {  	[smem:$0x3FAF] =	sst s1  }
0xa: {  	[smem:$0x3FB0] =	sst s2  }
0xb: {  	[smem:$0x3FB1] =	sst s3  }
0xc: {  	[smem:$0x3FB2] =	sst s4  }
0xd: {  	[smem:$0x3FB3] =	sst s5  }
0xe: {  	[smem:$0x3FB4] =	sst s6  }
0xf: {  	[smem:$0x3FB5] =	sst s7  }
0x10: {  	[smem:$0x3FB6] =	sst s8  }
0x11: {  	[smem:$0x3FB7] =	sst s9;
	s0 =	simm.s32 @!p0 $0x0  }
0x12: {  	s1 =	sld [smem:$0x3F9D];
	s0 =	simm.s32 @p0 $0x1  }
0x13: {  	[smem:$0x3FB8] =	sst s0;
	s0 =	simm.s32 @!p1 $0x0  }
0x14: {  	s2 =	sld [smem:$0x3F9C];
	s0 =	simm.s32 @p1 $0x1  }
0x15: {  	[smem:$0x3FB9] =	sst s0;
	s0 =	simm.s32 @!p2 $0x0  }
0x16: {  	s3 =	sld [smem:$0x3FDB];
	s0 =	simm.s32 @p2 $0x1  }
0x17: {  	s4 =	simm.s32 $0x1BF5;
	[smem:$0x3FBB] =	sst s0  }
0x18: {  	s0 =	sld [smem:$0x3F9E];
	_ =	swait.ge [sflag:s4], $0x0  }
0x19: {  	s7 =	sld [smem:$0x3F9F]  }
0x1a: {  	s8 =	sadd.s32 $0xFFFFE003, lr  }
0x1b: {  	s9 =	sadd.s32 $0xFFFFFEF7, lr;
	s5 =	simm.s32 $0xFFFFFFFF;
	p2 =	slt.u32 s8, $0xFFFFF086  }
0x1c: {  	p1 =	slt.u32 s9, $0xF7A;
	s5 =	simm.s32 @!p2 $0x0  }
0x1d: {  	s5 =	simm.s32 @p1 $0x1;
	p0 =	seq.s32 s7, s2  }
0x1e: {  	s7 =	smul.u32 @!p0 $0xF7A, s2;
	p2 =	seq.s32 @!p0 s5, $0x0  }
0x1f: {  	s9 =	smul.u32 $0xF7A, s1;
	s8 =	simm.s32 @!p0 $0x1BF5;
	p2 =	por !p2, p0  }
0x20: {  	[sflag:s8] =	ssyncset.s32 @!p0 $0xFFFFF086;
	s6 =	sadd.s32 @!p0 s3, s7;
	s7 =	simm.s32 @!p0 $0x108  }
0x21: {  	s3 =	sadd.s32 s3, s9;
	s6 =	sadd.s32 @!p0 $0x88, s6;
	s7 =	simm.s32 @p2 $0x1082  }
0x22: {  	[simem:s7], [sflag:s8] =	dma.local @!p0 [hbm:s6], $0xF7A  }
0x23: {  	s9 =	sor.u32 $0xD0000000, s2;
	s6 =	simm.s32 $0x108;
	_ =	swait.ge @!p0 [sflag:s8], $0x0  }
0x24: {  	s3 =	sadd.s32 $0x88, s3;
	s6 =	simm.s32 @!p1 $0x1082;
	[sflag:s4] =	ssyncset.s32 $0xFFFFF086  }
0x25: {  	[simem:s6], [sflag:s4] =	dma.local [hbm:s3], $0xF7A  }
0x26: {  	[smem:$0x3F9F] =	sst s1;
	(tag) =	ssettag s2;
	_ =	strace s9  }
0x27: {  	s1 =	sld [smem:$0x3FAF]  }
0x28: {  	s2 =	sld [smem:$0x3FB0]  }
0x29: {  	s4 =	sld [smem:$0x3FB2]  }
0x2a: {  	p0 =	seq.s32 s5, $0x0;
	s5 =	sld [smem:$0x3FB3]  }
0x2b: {  	s6 =	sld [smem:$0x3FB4]  }
0x2c: {  	s7 =	sld [smem:$0x3FB5]  }
0x2d: {  	s3 =	simm.s32 $0x108;
	s8 =	sld [smem:$0x3FB6]  }
0x2e: {  	s3 =	simm.s32 @!p0 $0x1082;
	s9 =	sld [smem:$0x3FB7]  }
0x2f: {  	lr =	sadd.s32 s0, s3;
	s0 =	sld [smem:$0x3FAE]  }
0x30: {  	s3 =	sld [smem:$0x3FB1]  }
0x31: {  	[smem:$0x3FBA] =	sst s10  }
0x32: {  	s10 =	sld [smem:$0x3FB8];
	_ =	sdelay $0x3  }
0x33: {  	p0 =	seq.s32 s10, $0x1;
	s10 =	sld [smem:$0x3FBA];
	_ =	sdelay $0x3  }
0x34: {  	[smem:$0x3FBA] =	sst s10  }
0x35: {  	s10 =	sld [smem:$0x3FB9];
	_ =	sdelay $0x3  }
0x36: {  	p1 =	seq.s32 s10, $0x1;
	s10 =	sld [smem:$0x3FBA];
	_ =	sdelay $0x3  }
0x37: {  	[smem:$0x3FBA] =	sst s10  }
0x38: {  	s10 =	sld [smem:$0x3FBB]  }
0x39: {  	_ = 	snop;
	(pc) =	sbr.ind lr, $3  }
0x3a: {  	_ = 	snop  }
0x3b: {  	_ = 	snop  }
0x3c: {  	p2 =	seq.s32 s10, $0x1;
	s10 =	sld [smem:$0x3FBA]  }
0x3d: {  	_ =	shalt  }
0x3e: {  	_ =	shalt  }
0x3f: {  	_ =	shalt  }
0x40: {  	_ =	shalt  }
0x41: {  	_ =	shalt  }
0x42: {  	_ =	shalt  }
0x43: {  	_ =	shalt  }
0x44: {  	_ =	shalt  }
0x45: {  	_ =	shalt  }
0x46: {  	_ =	shalt  }
0x47: {  	_ =	shalt  }
0x48: {  	_ =	shalt  }
0x49: {  	_ =	shalt  }
0x4a: {  	_ =	shalt  }
0x4b: {  	_ =	shalt  }
0x4c: {  	_ =	shalt  }
0x4d: {  	_ =	shalt  }
0x4e: {  	_ =	shalt  }
0x4f: {  	_ =	shalt  }
0x50: {  	_ =	shalt  }
0x51: {  	_ =	shalt  }
0x52: {  	_ =	shalt  }
0x53: {  	_ =	shalt  }
0x54: {  	_ =	shalt  }
0x55: {  	_ =	shalt  }
0x56: {  	_ =	shalt  }
0x57: {  	_ =	shalt  }
0x58: {  	_ =	shalt  }
0x59: {  	_ =	shalt  }
0x5a: {  	_ =	shalt  }
0x5b: {  	_ =	shalt  }
0x5c: {  	_ =	shalt  }
0x5d: {  	_ =	shalt  }
0x5e: {  	_ =	shalt  }
0x5f: {  	_ =	shalt  }
0x60: {  	_ =	shalt  }
0x61: {  	_ =	shalt  }
0x62: {  	_ =	shalt  }
0x63: {  	_ =	shalt  }
0x64: {  	_ =	shalt  }
0x65: {  	_ =	shalt  }
0x66: {  	_ =	shalt  }
0x67: {  	_ =	shalt  }
0x68: {  	_ =	shalt  }
0x69: {  	_ =	shalt  }
0x6a: {  	_ =	shalt  }
0x6b: {  	_ =	shalt  }
0x6c: {  	_ =	shalt  }
0x6d: {  	_ =	shalt  }
0x6e: {  	_ =	shalt  }
0x6f: {  	_ =	shalt  }
0x70: {  	_ =	shalt  }
0x71: {  	_ =	shalt  }
0x72: {  	_ =	shalt  }
0x73: {  	_ =	shalt  }
0x74: {  	_ =	shalt  }
0x75: {  	_ =	shalt  }
0x76: {  	_ =	shalt  }
0x77: {  	_ =	shalt  }
0x78: {  	_ =	shalt  }
0x79: {  	_ =	shalt  }
0x7a: {  	_ =	shalt  }
0x7b: {  	_ =	shalt  }
0x7c: {  	_ =	shalt  }
0x7d: {  	_ =	shalt  }
0x7e: {  	_ =	shalt  }
0x7f: {  	_ =	shalt  }
0x80: {  	_ =	shalt  }
0x81: {  	_ =	shalt  }
0x82: {  	_ =	shalt  }
0x83: {  	_ =	shalt  }
0x84: {  	_ =	shalt  }
0x85: {  	_ =	shalt  }
0x86: {  	_ =	shalt  }
0x87: {  	_ =	shalt  }
.Lfunc_end0:
.L_simem_size_0:
called_computation_lowered:
.L_overlay_start_0:
0x88: {  	s2 =	sld [smem:$0x3FD9]  }
0x89: {  	s3 =	sld [smem:$0x3FFE];
	_ =	sdelay $0x1  }
0x8a: {  	s1 =	srdreg.scid  }
0x8b: {  	s0 =	sand.u32 $0x1, s1  }
0x8c: {  	s18 =	sshll.u32 s0, $0xA;
	s2 =	sadd.s32 s3, s2  }
0x8d: {  	s2 =	sadd.s32 s2, s18  }
0x8e: {  	[smem:$0x3FC6] =	sst s2  }
0x8f: {  	_ = 	snop  }
0x90: {  	s2 =	sld [smem:$0x3FC9]  }
0x91: {  	s19 =	sld [smem:$0x3FC8]  }
0x92: {  	s4 =	sld [smem:$0x3FD0];
	(tm) =	ssettm $0x1  }
0x93: {  	s5 =	sld [smem:$0x3FFB];
	_ =	sdelay $0x3  }
0x94: {  	_ =	strace s5  }
0x95: {  	s5 =	sld [smem:$0x3FFC];
	_ =	sdelay $0x3  }
0x96: {  	_ =	strace s5  }
0x97: {  	s5 =	sld [smem:$0x3FFD];
	_ =	sdelay $0x3  }
0x98: {  	_ =	strace s5  }
0x99: {  	_ =	strace $0x8FFFFFFF  }
0x9a: {  	s20 =	sld [smem:$0x3FDB];
	_ =	sdelay $0x1  }
0x9b: {  	s6 =	simm.s32 $_scs_section_size  }
0x9c: {  	s7 =	simm.s32 $_size__tile_overlayer_lowered;
	s8 =	simm.s32 $_tile_overlayer_lowered  }
0x9d: {  	s23 =	simm.s32 $0x1BFF;
	s22 =	sshll.u32 s8, $0x1;
	s5 =	sadd.s32 s6, s20  }
0x9e: {  	s9 =	simm.s32 $0x0;
	s21 =	sshll.u32 s7, $0x1;
	s7 =	sadd.s32 s22, s5  }
0x9f: {  	[timem:s9], [sflag:s23] =	dma.local [hbm:s7], s21  }
0xa0: {  	_ =	swait.ge [sflag:s23], s21  }
0xa1: {  	s6 =	ssub.s32 $0x0, s21;
	[sflag:s23] =	ssyncset.done $0x0  }
0xa2: {  	[sflag:s23] =	ssyncadd.s32 s6;
	_ =	sdelay $0x1  }
0xa3: {  	s24 =	simm.s32 $0x1B8B  }
0xa4: {  	_ =	swait.ge [sflag:s24], $0x1  }
0xa5: {  	[sflag:s24] =	ssyncset.done $0x0  }
0xa6: {  	s25 =	simm.s32 $0x1B8E;
	[sflag:s24] =	ssyncadd.s32 $0xFFFFFFFF  }
0xa7: {  	s26 =	simm.s32 $execute0_lowered;
	[smem:$0x3FD2] =	sst s25  }
0xa8: {  	s6 =	sshll.u32 s26, $0x1;
	_ =	strace $0x80000046;
	[dreg:$0x1] =	wrdreg $0xFFFFFFFF  }
0xa9: {  	s28 =	simm.s32 $_size_execute0_lowered;
	s5 =	sadd.s32 s5, s6;
	[dreg:$0x0] =	wrdreg $0x0  }
0xaa: {  	s6 =	sshll.u32 s28, $0x1;
	[dreg:$0x2] =	wrdreg s5  }
0xab: {  	[dreg:$0x3] =	wrdreg s6  }
0xac: {  	[dreg:$0x4] =	wrdreg $0xC0  }
0xad: {  	_ =	task [dreg:s9], $0x5FFFF  }
0xae: {  	[dreg:$0x1] =	wrdreg $0xFFFFFFFF  }
0xaf: {  	[dreg:$0x0] =	wrdreg $0x60  }
0xb0: {  	[dreg:$0x2] =	wrdreg s2  }
0xb1: {  	[dreg:$0x3] =	wrdreg s19  }
0xb2: {  	[dreg:$0x4] =	wrdreg s4  }
0xb3: {  	[dreg:$0x5] =	wrdreg $0x9  }
0xb4: {  	_ =	task.clear_ibuf [dreg:s9], $0x6FFFF;
	_ =	strace $0x90000046  }
0xb5: {  	s29 =	simm.s32 $0x9;
	_ =	strace $0x80000048  }
0xb6: {  	_ =	swait.ge [sflag:s29], $0x1  }
0xb7: {  	[sflag:s29] =	ssyncadd.s32 $0xFFFFFFFF  }
0xb8: {  	_ =	strace $0x90000048  }
0xb9: {  	_ =	sfence  }
0xba: {  	s30 =	sld [smem:$0x0];
	_ =	sdelay $0x2  }
0xbb: {  	s31 =	sshll.u32 s1, $0xD;
	s1 =	sshrl.u32 s1, $0x2  }
0xbc: {  	s3 =	sand.u32 $0x4000, s31;
	s1 =	sadd.s32 s1, s30  }
0xbd: {  	s0 =	sor.u32 s3, s0;
	s1 =	sshll.u32 s1, $0x11  }
0xbe: {  	s0 =	sor.u32 s1, s0  }
0xbf: {  	s0 =	sadd.s32 $0x8F2B, s0  }
0xc0: {  	[sflag:s0] =	ssyncadd.remote.s32 $0x1  }
0xc1: {  	_ =	sfence.sel $0xFFFF  }
0xc2: {  	[dreg:$0x0] =	wrdreg $0xFFFFFFFF;
	(pc) =	sbr.abs _section_cstart, $3  }
0xc3: {  	[dreg:$0x1] =	wrdreg $0xFFFFFFFF  }
0xc4: {  	_ =	task.clear_ibuf [dreg:s9], $0x2FFFF;
	_ =	strace $0x9FFFFFFF  }
0xc5: {  	(tm) =	ssettm $0x7FFFFFFF  }
tec
execute0_lowered:
.L_overlay_start_1:
0x0: {  	(tag) =	ssettag $0x1  }
0x1: {  	s1 =	rddreg [dreg:$0x0];
	s2 =	simm.s32 $0x0;
	s0 =	srdreg.scid  }
0x2: {  	s4 =	stileid.u32;
	s10 =	simm.s32 $0x2;
	s17 =	simm.s32 $0x3080  }
0x3: {  	s18 =	simm.s32 $0x3880;
	s19 =	simm.s32 $0x4080;
	s20 =	simm.s32 $0x4880  }
0x4: {  	s21 =	simm.s32 $0x5080;
	s22 =	simm.s32 $0x5880;
	s23 =	simm.s32 $0x6080  }
0x5: {  	s24 =	simm.s32 $0x6880;
	s28 =	simm.s32 $0x8080;
	s29 =	simm.s32 $0x8880  }
0x6: {  	s30 =	simm.s32 $0x9080;
	s31 =	simm.s32 $0x9880;
	s5 =	simm.s32 $0xA880  }
0x7: {  	s9 =	simm.s32 $0xB080;
	s12 =	simm.s32 $0x0;
	[smem:$0x7FF] =	sst s2  }
0x8: {  	s0 =	sand.u32 $0x1, s0;
	s4 =	sshll.u32 s4, $0xA;
	s7 =	sadd.s32 $0x100, s1  }
0x9: {  	s8 =	sadd.s32 $0x200, s1;
	s25 =	ssub.s32 $0x2, s0;
	s0 =	sshll.u32 s0, $0x9  }
0xa: {  	_ =	strace $0x80000047;
	s3 =	sshrl.u32 s25, $0x1;
	s6 =	sor.u32 s0, s4  }
0xb: {  	v2 =	vlaneseq.u32;
	s0 =	simm.s32 $0xA080;
	s4 =	simm.s32 $0xC080;
	s2 =	ssub.s32 s25, s3  }
0xc: {  	vm0 =	vmmov $0xffff;
	v1 =	vshrl.u32 v2, $0x3;
	s25 =	simm.s32 $0x7080;
	s3 =	simm.s32 $0x1;
	s26 =	smax.u32 s2, $0x1  }
0xd: {  	v0 =	vand.u32 $0x7, v2;
	v2 =	vor.u32 $0x8, v2;
	v1 =	vmul.u32 $0x8, v1;
	s2 =	simm.s32 $0xB880;
	[dreg:$0x4] =	wrdreg s26;
	s26 =	simm.s32 $0x7880  }
.LBB2_1:
0xe: {  	[dreg:$0x5] =	wrdreg s12;
	s11 =	simm.s32 $0x0  }
.LBB2_2:
0xf: {  	s12 =	sshll.u32 s11, $0x4  }
0x10: {  	s12 =	sadd.s32 s6, s12  }
0x11: {  	s14 =	rddreg [dreg:$0x1];
	s13 =	sshrl.u32 s12, $0x1  }
0x12: {  	s14 =	sadd.s32 s14, s13;
	s13 =	simm.s32 $0x0  }
0x13: {  	[tilespmem:s13], [sflag:$0x2] =	stream.linear.gather [hbm4b:s14+s13], $0x40, $0x38;
	[tilespmem:$0xF080] =	vst v63  }
0x14: {  	_ =	swait.ge [sflag:s10], $0x40  }
0x15: {  	[sflag:s10] =	ssyncset.done $0x0  }
0x16: {  	[sflag:s10] =	ssyncadd.s32 $0xFFFFFFC0  }
0x17: {  	v3 =	vld [tilespmem:$0x0];
	_ =	sdelay $0x4  }
0x18: {  	v4 =	vshrl.u32 v3, $0x3  }
0x19: {  	v4 =	vmul.u32 $0x30, v4  }
0x1a: {  	v3 =	vand.u32 $0x7, v3  }
0x1b: {  	v3 =	vor.u32 v3, v4  }
0x1c: {  	v4 =	vperm.xlane v3, v0;
	_ =	sdelay $0x1  }
0x1d: {  	v4 =	vadd.s32 v1, v4;
	_ =	sdelay $0x3  }
0x1e: {  	s15 =	simm.s32 $0x80;
	v3 =	vperm.xlane v3, v2  }
0x1f: {  	[tilespmem:s15], [sflag:$0x1] =	stream.indirect_vreg.gather [hbm4b:s1+s13], $0x80, v4, vm0, $0xb8;
	[tilespmem:$0xF080] =	vst v63  }
0x20: {  	s16 =	simm.s32 $0x880;
	v3 =	vadd.s32 v1, v3  }
0x21: {  	[tilespmem:s16], [sflag:$0x1] =	stream.indirect_vreg.gather [hbm4b:s7+s13], $0x80, v4, vm0, $0xb8;
	[tilespmem:$0xF080] =	vst v63  }
0x22: {  	s15 =	simm.s32 $0x1080  }
0x23: {  	[tilespmem:s15], [sflag:$0x1] =	stream.indirect_vreg.gather [hbm4b:s8+s13], $0x80, v4, vm0, $0xb8;
	[tilespmem:$0xF080] =	vst v63  }
0x24: {  	s16 =	simm.s32 $0x1880  }
0x25: {  	[tilespmem:s16], [sflag:$0x1] =	stream.indirect_vreg.gather [hbm4b:s1+s13], $0x80, v3, vm0, $0xb8;
	[tilespmem:$0xF080] =	vst v63  }
0x26: {  	s15 =	simm.s32 $0x2080  }
0x27: {  	[tilespmem:s15], [sflag:$0x1] =	stream.indirect_vreg.gather [hbm4b:s7+s13], $0x80, v3, vm0, $0xb8;
	[tilespmem:$0xF080] =	vst v63  }
0x28: {  	s16 =	simm.s32 $0x2880  }
0x29: {  	[tilespmem:s16], [sflag:$0x1] =	stream.indirect_vreg.gather [hbm4b:s8+s13], $0x80, v3, vm0, $0xb8;
	[tilespmem:$0xF080] =	vst v63  }
0x2a: {  	v3 =	vld [tilespmem:$0x10];
	_ =	sdelay $0x4  }
0x2b: {  	v61 =	vshrl.u32 v3, $0x3  }
0x2c: {  	v4 =	vmul.u32 $0x30, v61  }
0x2d: {  	v3 =	vand.u32 $0x7, v3  }
0x2e: {  	v3 =	vor.u32 v3, v4  }
0x2f: {  	v4 =	vperm.xlane v3, v0;
	_ =	sdelay $0x1  }
0x30: {  	v4 =	vadd.s32 v1, v4;
	_ =	sdelay $0x3  }
0x31: {  	v3 =	vperm.xlane v3, v2  }
0x32: {  	[tilespmem:s17], [sflag:$0x1] =	stream.indirect_vreg.gather [hbm4b:s1+s13], $0x80, v4, vm0, $0xb8;
	[tilespmem:$0xF080] =	vst v63  }
0x33: {  	v3 =	vadd.s32 v1, v3  }
0x34: {  	[tilespmem:s18], [sflag:$0x1] =	stream.indirect_vreg.gather [hbm4b:s7+s13], $0x80, v4, vm0, $0xb8;
	[tilespmem:$0xF080] =	vst v63  }
0x35: {  	_ = 	snop  }
0x36: {  	[tilespmem:s19], [sflag:$0x1] =	stream.indirect_vreg.gather [hbm4b:s8+s13], $0x80, v4, vm0, $0xb8;
	[tilespmem:$0xF080] =	vst v63  }
0x37: {  	_ = 	snop  }
0x38: {  	[tilespmem:s20], [sflag:$0x1] =	stream.indirect_vreg.gather [hbm4b:s1+s13], $0x80, v3, vm0, $0xb8;
	[tilespmem:$0xF080] =	vst v63  }
0x39: {  	_ = 	snop  }
0x3a: {  	[tilespmem:s21], [sflag:$0x1] =	stream.indirect_vreg.gather [hbm4b:s7+s13], $0x80, v3, vm0, $0xb8;
	[tilespmem:$0xF080] =	vst v63  }
0x3b: {  	_ = 	snop  }
0x3c: {  	[tilespmem:s22], [sflag:$0x1] =	stream.indirect_vreg.gather [hbm4b:s8+s13], $0x80, v3, vm0, $0xb8;
	[tilespmem:$0xF080] =	vst v63  }
0x3d: {  	v3 =	vld [tilespmem:$0x20];
	_ =	sdelay $0x4  }
0x3e: {  	v62 =	vshrl.u32 v3, $0x3  }
0x3f: {  	v4 =	vmul.u32 $0x30, v62  }
0x40: {  	v3 =	vand.u32 $0x7, v3  }
0x41: {  	v3 =	vor.u32 v3, v4  }
0x42: {  	v4 =	vperm.xlane v3, v0;
	_ =	sdelay $0x1  }
0x43: {  	v4 =	vadd.s32 v1, v4;
	_ =	sdelay $0x3  }
0x44: {  	v3 =	vperm.xlane v3, v2  }
0x45: {  	[tilespmem:s23], [sflag:$0x1] =	stream.indirect_vreg.gather [hbm4b:s1+s13], $0x80, v4, vm0, $0xb8;
	[tilespmem:$0xF080] =	vst v63  }
0x46: {  	v3 =	vadd.s32 v1, v3  }
0x47: {  	[tilespmem:s24], [sflag:$0x1] =	stream.indirect_vreg.gather [hbm4b:s7+s13], $0x80, v4, vm0, $0xb8;
	[tilespmem:$0xF080] =	vst v63  }
0x48: {  	_ = 	snop  }
0x49: {  	[tilespmem:s25], [sflag:$0x1] =	stream.indirect_vreg.gather [hbm4b:s8+s13], $0x80, v4, vm0, $0xb8;
	[tilespmem:$0xF080] =	vst v63  }
0x4a: {  	_ = 	snop  }
0x4b: {  	[tilespmem:s26], [sflag:$0x1] =	stream.indirect_vreg.gather [hbm4b:s1+s13], $0x80, v3, vm0, $0xb8;
	[tilespmem:$0xF080] =	vst v63  }
0x4c: {  	_ = 	snop  }
0x4d: {  	[tilespmem:s28], [sflag:$0x1] =	stream.indirect_vreg.gather [hbm4b:s7+s13], $0x80, v3, vm0, $0xb8;
	[tilespmem:$0xF080] =	vst v63  }
0x4e: {  	_ = 	snop  }
0x4f: {  	[tilespmem:s29], [sflag:$0x1] =	stream.indirect_vreg.gather [hbm4b:s8+s13], $0x80, v3, vm0, $0xb8;
	[tilespmem:$0xF080] =	vst v63  }
0x50: {  	v3 =	vld [tilespmem:$0x30];
	_ =	sdelay $0x4  }
0x51: {  	v63 =	vshrl.u32 v3, $0x3  }
0x52: {  	v4 =	vmul.u32 $0x30, v63  }
0x53: {  	v3 =	vand.u32 $0x7, v3  }
0x54: {  	v3 =	vor.u32 v3, v4  }
0x55: {  	v4 =	vperm.xlane v3, v0;
	_ =	sdelay $0x1  }
0x56: {  	v4 =	vadd.s32 v1, v4;
	_ =	sdelay $0x3  }
0x57: {  	v3 =	vperm.xlane v3, v2  }
0x58: {  	[tilespmem:s30], [sflag:$0x1] =	stream.indirect_vreg.gather [hbm4b:s1+s13], $0x80, v4, vm0, $0xb8;
	[tilespmem:$0xF080] =	vst v63  }
0x59: {  	v3 =	vadd.s32 v1, v3  }
0x5a: {  	[tilespmem:s31], [sflag:$0x1] =	stream.indirect_vreg.gather [hbm4b:s7+s13], $0x80, v4, vm0, $0xb8;
	[tilespmem:$0xF080] =	vst v63  }
0x5b: {  	_ = 	snop  }
0x5c: {  	[tilespmem:s0], [sflag:$0x1] =	stream.indirect_vreg.gather [hbm4b:s8+s13], $0x80, v4, vm0, $0xb8;
	[tilespmem:$0xF080] =	vst v63  }
0x5d: {  	_ = 	snop  }
0x5e: {  	[tilespmem:s5], [sflag:$0x1] =	stream.indirect_vreg.gather [hbm4b:s1+s13], $0x80, v3, vm0, $0xb8;
	[tilespmem:$0xF080] =	vst v63  }
0x5f: {  	_ = 	snop  }
0x60: {  	[tilespmem:s9], [sflag:$0x1] =	stream.indirect_vreg.gather [hbm4b:s7+s13], $0x80, v3, vm0, $0xb8;
	[tilespmem:$0xF080] =	vst v63  }
0x61: {  	_ = 	snop  }
0x62: {  	[tilespmem:s2], [sflag:$0x1] =	stream.indirect_vreg.gather [hbm4b:s8+s13], $0x80, v3, vm0, $0xb8;
	[tilespmem:$0xF080] =	vst v63  }
0x63: {  	_ =	swait.ge [sflag:s3], $0xC000  }
0x64: {  	[sflag:s3] =	ssyncset.done $0x0  }
0x65: {  	s14 =	simm.s32 $0x0;
	[sflag:s3] =	ssyncadd.s32 $0xFFFF4000  }
.LBB2_3:
0x66: {  	s15 =	sand.u32 $0x70, s14;
	s16 =	sand.u32 $0x1C00, s13  }
0x67: {  	s15 =	sor.u32 s15, s16  }
0x68: {  	v3 =	vld [tilespmem:s15+$0x80]  }
0x69: {  	v4 =	vld [tilespmem:s15+$0x100]  }
0x6a: {  	v5 =	vld [tilespmem:s15+$0x180]  }
0x6b: {  	v6 =	vld [tilespmem:s15+$0x200]  }
0x6c: {  	v55 =	vld [tilespmem:s15+$0x280]  }
0x6d: {  	v56 =	vld [tilespmem:s15+$0x300]  }
0x6e: {  	v7 =	vld [tilespmem:s15+$0x1880]  }
0x6f: {  	v8 =	vld [tilespmem:s15+$0x1900]  }
0x70: {  	v9 =	vld [tilespmem:s15+$0x1980]  }
0x71: {  	v10 =	vld [tilespmem:s15+$0x1A00]  }
0x72: {  	v11 =	vld [tilespmem:s15+$0x1A80]  }
0x73: {  	v12 =	vld [tilespmem:s15+$0x1B00]  }
0x74: {  	v13 =	vld [tilespmem:s15+$0x1B80]  }
0x75: {  	v15 =	vld [tilespmem:s15+$0x3080]  }
0x76: {  	v16 =	vld [tilespmem:s15+$0x3100]  }
0x77: {  	v17 =	vld [tilespmem:s15+$0x3180]  }
0x78: {  	v18 =	vld [tilespmem:s15+$0x3200]  }
0x79: {  	v19 =	vld [tilespmem:s15+$0x3280];
	v3 =	vadd.f32 v4, v3  }
0x7a: {  	v20 =	vld [tilespmem:s15+$0x3300]  }
0x7b: {  	v21 =	vld [tilespmem:s15+$0x3380];
	v3 =	vadd.f32 v5, v3  }
0x7c: {  	v58 =	vld [tilespmem:s15+$0x4880]  }
0x7d: {  	v59 =	vld [tilespmem:s15+$0x4900];
	v3 =	vadd.f32 v6, v3  }
0x7e: {  	v61 =	vld [tilespmem:s15+$0x4A80]  }
0x7f: {  	s16 =	sor.u32 s13, s14;
	[tilespmem:s15+$0xC080] =	vst v3;
	v3 =	vld [tilespmem:s15+$0x380]  }
0x80: {  	s16 =	sor.u32 $0x380, s16;
	v62 =	vld [tilespmem:s15+$0x4B00]  }
0x81: {  	v7 =	vadd.f32 v8, v7;
	v57 =	vld [tilespmem:s16+$0x80]  }
0x82: {  	v63 =	vld [tilespmem:s15+$0x4980];
	v4 =	vadd.f32 v56, v55;
	v60 =	vadd.f32 v12, v11  }
0x83: {  	v22 =	vld [tilespmem:s15+$0x3400];
	v16 =	vadd.f32 v16, v15;
	v7 =	vadd.f32 v9, v7  }
0x84: {  	v25 =	vld [tilespmem:s15+$0x4A00];
	v24 =	vadd.f32 v20, v19;
	v3 =	vadd.f32 v3, v4  }
0x85: {  	v23 =	vld [tilespmem:s15+$0x4B80];
	v5 =	vadd.f32 v59, v58;
	v7 =	vadd.f32 v10, v7  }
0x86: {  	v14 =	vld [tilespmem:s15+$0x1C00];
	v10 =	vadd.f32 v17, v16;
	v3 =	vadd.f32 v57, v3  }
0x87: {  	v26 =	vld [tilespmem:s15+$0x4C00];
	v9 =	vadd.f32 v62, v61;
	v5 =	vadd.f32 v63, v5  }
0x88: {  	v27 =	vadd.f32 v18, v10;
	[tilespmem:s15+$0xC100] =	vst v3;
	v3 =	vadd.f32 v21, v24  }
0x89: {  	v5 =	vadd.f32 v25, v5;
	[tilespmem:s15+$0xC180] =	vst v7;
	v4 =	vadd.f32 v13, v60  }
0x8a: {  	v28 =	vadd.f32 v23, v9;
	[tilespmem:s15+$0xC280] =	vst v27;
	v3 =	vadd.f32 v22, v3  }
0x8b: {  	[tilespmem:s15+$0xC380] =	vst v5;
	v4 =	vadd.f32 v14, v4  }
0x8c: {  	[tilespmem:s15+$0xC300] =	vst v3;
	v3 =	vadd.f32 v26, v28  }
0x8d: {  	[tilespmem:s15+$0xC200] =	vst v4  }
0x8e: {  	[tilespmem:s16+$0xC080] =	vst v3  }
0x8f: {  	v3 =	vld [tilespmem:s15+$0x6080]  }
0x90: {  	v29 =	vld [tilespmem:s15+$0x6100]  }
0x91: {  	v30 =	vld [tilespmem:s15+$0x6180]  }
0x92: {  	v31 =	vld [tilespmem:s15+$0x6200]  }
0x93: {  	v32 =	vld [tilespmem:s15+$0x6280]  }
0x94: {  	v33 =	vld [tilespmem:s15+$0x6300]  }
0x95: {  	v34 =	vld [tilespmem:s15+$0x6380]  }
0x96: {  	v35 =	vld [tilespmem:s15+$0x6400]  }
0x97: {  	v36 =	vld [tilespmem:s15+$0x7880]  }
0x98: {  	v37 =	vld [tilespmem:s15+$0x7900]  }
0x99: {  	v38 =	vld [tilespmem:s15+$0x7980]  }
0x9a: {  	v39 =	vld [tilespmem:s15+$0x7A00]  }
0x9b: {  	v40 =	vld [tilespmem:s15+$0x7A80]  }
0x9c: {  	v41 =	vld [tilespmem:s15+$0x7B00]  }
0x9d: {  	v42 =	vld [tilespmem:s15+$0x7B80]  }
0x9e: {  	v43 =	vld [tilespmem:s15+$0x7C00]  }
0x9f: {  	v44 =	vld [tilespmem:s15+$0x9080]  }
0xa0: {  	v45 =	vld [tilespmem:s15+$0x9100]  }
0xa1: {  	v23 =	vld [tilespmem:s15+$0x9280]  }
0xa2: {  	v24 =	vld [tilespmem:s15+$0x9300]  }
0xa3: {  	v49 =	vld [tilespmem:s15+$0xA880]  }
0xa4: {  	v51 =	vld [tilespmem:s15+$0xA900]  }
0xa5: {  	v53 =	vld [tilespmem:s15+$0xAA80]  }
0xa6: {  	v54 =	vld [tilespmem:s15+$0xAB00]  }
0xa7: {  	v46 =	vld [tilespmem:s15+$0x9180];
	v3 =	vadd.f32 v29, v3;
	v7 =	vadd.f32 v33, v32  }
0xa8: {  	v47 =	vld [tilespmem:s15+$0x9200];
	v50 =	vadd.f32 v37, v36;
	v52 =	vadd.f32 v41, v40  }
0xa9: {  	v25 =	vld [tilespmem:s15+$0x9380];
	v56 =	vadd.f32 v45, v44;
	v58 =	vadd.f32 v24, v23  }
0xaa: {  	v48 =	vld [tilespmem:s15+$0x9400];
	v8 =	vadd.f32 v51, v49;
	v3 =	vadd.f32 v30, v3  }
0xab: {  	v57 =	vld [tilespmem:s15+$0xAB80];
	v6 =	vadd.f32 v54, v53;
	v7 =	vadd.f32 v34, v7  }
0xac: {  	v55 =	vld [tilespmem:s15+$0xA980];
	v5 =	vadd.f32 v38, v50;
	v3 =	vadd.f32 v31, v3  }
0xad: {  	v60 =	vld [tilespmem:s15+$0xAC00];
	v9 =	vadd.f32 v42, v52;
	v7 =	vadd.f32 v35, v7  }
0xae: {  	v59 =	vld [tilespmem:s15+$0xAA00];
	v61 =	vadd.f32 v25, v58;
	v5 =	vadd.f32 v39, v5;
	[tilespmem:s15+$0xD880] =	vst v3  }
0xaf: {  	v9 =	vadd.f32 v43, v9;
	v3 =	vadd.f32 v46, v56;
	[tilespmem:s15+$0xD900] =	vst v7  }
0xb0: {  	p0 =	sne.s32 s14, $0x2F0;
	v6 =	vadd.f32 v57, v6;
	v4 =	vadd.f32 v48, v61;
	[tilespmem:s15+$0xD980] =	vst v5  }
.Ltmp0:
0xb1: {  	v62 =	vadd.f32 v55, v8;
	[tilespmem:s15+$0xDA00] =	vst v9;
	v3 =	vadd.f32 v47, v3;
	(pc) =	sbr.rel @p0 .LBB2_3-.Ltmp0, $4  }
0xb2: {  	v63 =	vadd.f32 v60, v6;
	[tilespmem:s15+$0xDB00] =	vst v4  }
0xb3: {  	[tilespmem:s15+$0xDA80] =	vst v3;
	v3 =	vadd.f32 v59, v62  }
0xb4: {  	[tilespmem:s15+$0xDC00] =	vst v63  }
0xb5: {  	s13 =	sadd.s32 $0x80, s13;
	s14 =	sadd.s32 $0x10, s14;
	[tilespmem:s15+$0xDB80] =	vst v3  }
0xb6: {  	s12 =	sshrl.u32 s12, $0x3  }
0xb7: {  	s11 =	sadd.s32 $0x1, s11;
	s12 =	smul.u32 $0x300, s12  }
0xb8: {  	s13 =	rddreg [dreg:$0x2];
	p0 =	sne.s32 s11, $0x20  }
.Ltmp1:
0xb9: {  	s16 =	simm.s32 $0x0;
	s12 =	sadd.s32 s13, s12;
	(pc) =	sbr.rel @p0 .LBB2_2-.Ltmp1, $4  }
0xba: {  	[hbm4b:s12+s16] =	stream.linear.scatter [tilespmem:s4], [sflag:$0x2], $0x3000, $0x38;
	[tilespmem:$0xF080] =	vst v63  }
0xbb: {  	_ =	swait.ge [sflag:s10], $0x3000  }
0xbc: {  	[sflag:s10] =	ssyncset.done $0x0  }
0xbd: {  	[sflag:s10] =	ssyncadd.s32 $0xFFFFD000  }
0xbe: {  	s12 =	rddreg [dreg:$0x5]  }
0xbf: {  	s11 =	rddreg [dreg:$0x4];
	s12 =	sadd.s32 $0x1, s12  }
0xc0: {  	p0 =	sne.s32 s12, s11  }
.Ltmp2:
0xc1: {  	_ = 	snop;
	(pc) =	sbr.rel @p0 .LBB2_1-.Ltmp2, $1  }
0xc2: {  	_ =	sdelay $0x3  }
0xc3: {  	_ =	sfence.sel $0x180000  }
0xc4: {  	[bflag:$0x0] =	sbarrier.arrive $0xFFFF  }
0xc5: {  	_ =	strace $0x90000047  }
0xc6: {  	s0 =	stileid.u32;
	[bflag:$0x2] =	sbarrier.arrive $0xFFFF  }
0xc7: {  	p0 =	sne.s32 s0, $0x0;
	s0 =	rddreg [dreg:$0x3]  }
0xc8: {  	s0 =	sadd.s32 @!p0 $0x100000, s0  }
0xc9: {  	[sflag:s0] =	ssyncadd.tile.s32 @!p0 $0x1;
	_ =	shalt  }
.Lfunc_end2:
_tile_overlayer_lowered:
.L_overlay_start_2:
0xca: {  	(tag) =	ssettag $0x2  }
0xcb: {  	s0 =	rddreg [dreg:$0x0];
	s2 =	stileid.u32  }
0xcc: {  	s1 =	rddreg [dreg:$0x1];
	p0 =	sne.s32 s2, $0x0  }
0xcd: {  	s3 =	rddreg [dreg:$0x2];
	[bflag:$0x3] =	sbarrier.arrive $0xFFFF;
	s2 =	simm.s32 @!p0 $0x1C02  }
0xce: {  	[timem:s3], [sflag:s2] =	dma.local @!p0 [hbm:s0], s1  }
0xcf: {  	s0 =	simm.s32 @!p0 $0x2  }
0xd0: {  	_ =	swait.ge @!p0 [sflag:s0], s1  }
0xd1: {  	s1 =	ssub.s32 @!p0 $0x0, s1;
	[sflag:s0] =	ssyncset.done @!p0 $0x0  }
0xd2: {  	[sflag:s0] =	ssyncadd.s32 @!p0 s1  }
0xd3: {  	[bflag:$0x3] =	sbarrier.arrive $0xFFFF  }
0xd4: {  	_ =	shalt  }

</sc_bundles>
